<compile_context>
chip_gen: v7x
topology: tpu7x:2x2x1
jax: 0.10.2.dev20260603
libtpu: 0.0.44.dev20260713+nightly
codegen_flags: <defaults>
</compile_context>

<pallas_src>
import functools

import jax
import jax.numpy as jnp
from jax import lax
from jax.experimental import pallas as pl
from jax.experimental.pallas import tpu as pltpu
from jax.experimental.pallas import tpu_sc as plsc

B, L, V, E = 1024, 200, 1000, 128
NC, NS = 2, 16
NW = NC * NS
BPW = B // NW
LH = L // 2
BB = 8
EG = E // 16


KB = 8
BC = 128


def _adjT_kernel(adjT_ref, wa_ref, vT_ref):
    blk = adjT_ref[...].reshape(L, KB * BC)
    res = jnp.dot(wa_ref[...], blk, preferred_element_type=jnp.float32)
    vT_ref[...] = res.reshape(KB, BC)


def _vT(adjT, W_a):
    return pl.pallas_call(
        _adjT_kernel,
        grid=(L // KB, B // BC),
        in_specs=[
            pl.BlockSpec((L, KB, BC), lambda ik, ib: (0, ik, ib)),
            pl.BlockSpec((1, L), lambda ik, ib: (0, 0)),
        ],
        out_specs=pl.BlockSpec((KB, BC), lambda ik, ib: (ik, ib)),
        out_shape=jax.ShapeDtypeStruct((L, B), jnp.float32),
    )(adjT, W_a.reshape(1, L))


def _outv_kernel(vT_ref, wh_ref, bias_ref, mask_ref, out_ref, mrep_ref):
    out_ref[...] = lax.dot_general(
        vT_ref[...], wh_ref[...], (((0,), (0,)), ((), ())),
        preferred_element_type=jnp.float32) + bias_ref[...]
    mrep_ref[...] = jnp.broadcast_to(mask_ref[...][:, :, None], (BC, L, 16))


def _adj_out(adj_mat, adj_mask, W_a, W_h, bias):
    adjT = jnp.transpose(adj_mat, (1, 2, 0))
    vT = _vT(adjT, W_a)
    return pl.pallas_call(
        _outv_kernel,
        grid=(B // BC,),
        in_specs=[
            pl.BlockSpec((L, BC), lambda ib: (0, ib)),
            pl.BlockSpec((L, E), lambda ib: (0, 0)),
            pl.BlockSpec((1, E), lambda ib: (0, 0)),
            pl.BlockSpec((BC, L), lambda ib: (ib, 0)),
        ],
        out_specs=[
            pl.BlockSpec((BC, E), lambda ib: (ib, 0)),
            pl.BlockSpec((BC, L, 16), lambda ib: (ib, 0, 0)),
        ],
        out_shape=[
            jax.ShapeDtypeStruct((B, E), jnp.float32),
            jax.ShapeDtypeStruct((B, L, 16), jnp.float32),
        ],
    )(vT, W_h, bias.reshape(1, E), adj_mask)


def _sc_body(seq_hbm, pos_hbm, mrep_hbm, outv_hbm, tok_hbm, post_hbm, x_hbm,
             seq_v, pos_v, mrep_v, outv_v, tokbuf, posbuf, sem):
    wid = lax.axis_index("s") * NC + lax.axis_index("c")
    b0 = wid * BPW
    pltpu.sync_copy(seq_hbm.at[wid], seq_v)
    pltpu.sync_copy(pos_hbm.at[wid], pos_v)
    pltpu.sync_copy(outv_hbm.at[pl.ds(b0, BPW)], outv_v)

    def batch_body(i, carry):
        cps = [
            pltpu.async_copy(tok_hbm.at[seq_v.at[2 * i]],
                             tokbuf.at[pl.ds(0, LH)], sem),
            pltpu.async_copy(tok_hbm.at[seq_v.at[2 * i + 1]],
                             tokbuf.at[pl.ds(LH, LH)], sem),
            pltpu.async_copy(post_hbm.at[pos_v.at[2 * i]],
                             posbuf.at[pl.ds(0, LH)], sem),
            pltpu.async_copy(post_hbm.at[pos_v.at[2 * i + 1]],
                             posbuf.at[pl.ds(LH, LH)], sem),
            pltpu.async_copy(mrep_hbm.at[b0 + i], mrep_v, sem),
        ]
        for c in cps:
            c.wait()
        out_gs = [outv_v[i, pl.ds(g * 16, 16)] for g in range(EG)]

        def row(l, c2):
            ms = mrep_v[l, :]
            for g in range(EG):
                sl = pl.ds(g * 16, 16)
                tokbuf[l, sl] = tokbuf[l, sl] + posbuf[l, sl] + ms * out_gs[g]
            return c2

        lax.fori_loop(0, L, row, 0)
        pltpu.sync_copy(tokbuf, x_hbm.at[b0 + i])
        return carry

    lax.fori_loop(0, BPW, batch_body, 0)


_sc_gather = functools.partial(
    pl.kernel,
    out_type=jax.ShapeDtypeStruct((B, L, E), jnp.float32),
    mesh=plsc.VectorSubcoreMesh(core_axis_name="c", subcore_axis_name="s"),
    scratch_types=[
        pltpu.VMEM((2 * BPW, LH), jnp.int32),
        pltpu.VMEM((2 * BPW, LH), jnp.int32),
        pltpu.VMEM((L, 16), jnp.float32),
        pltpu.VMEM((BPW, E), jnp.float32),
        pltpu.VMEM((L, E), jnp.float32),
        pltpu.VMEM((L, E), jnp.float32),
        pltpu.SemaphoreType.DMA,
    ],
)(_sc_body)


def kernel(sequence, pos_num, adj_mask, adj_mat, token_table, pos_table,
           W_h, W_a, bias):
    outv, mrep = _adj_out(adj_mat, adj_mask, W_a, W_h, bias)
    seq_r = sequence.reshape(NW, 2 * BPW, LH)
    pos_r = pos_num.reshape(NW, 2 * BPW, LH)
    return _sc_gather(seq_r, pos_r, mrep, outv, token_table, pos_table)

# --- scband reference (transcript-rebuilt; emitter-appended) ---
"""Pipeline reference for scband-smiles-embedding-14087492731398 (READ-ONLY COPY).

The authoritative reference and input builder live on the scoring server;
editing this copy changes nothing except your own understanding.
"""

import jax, jax.numpy as jnp
import numpy as np
import math

B, L, V, E = 1024, 200, 1000, 128


def setup_inputs(seed: int = 0) -> dict:
    key = jax.random.key(seed)
    ks = jax.random.split(key, 9)
    sequence = jax.random.randint(ks[0], (B, L), 0, V, dtype=jnp.int32)
    pos_num = jax.random.randint(ks[1], (B, L), 0, L, dtype=jnp.int32)
    adj_mask = jax.random.uniform(ks[2], (B, L), dtype=jnp.float32)
    adj_mat = jax.random.normal(ks[3], (B, L, L), dtype=jnp.float32)
    # nn.Embedding default init: N(0,1); padding_idx=0 row zeroed for token table
    token_table = jax.random.normal(ks[4], (V, E), dtype=jnp.float32)
    token_table = token_table.at[0].set(0.0)
    pos_table = jax.random.normal(ks[5], (L, E), dtype=jnp.float32)
    stdv = 1.0 / math.sqrt(E)
    stdv2 = 1.0 / math.sqrt(L)
    W_h = jax.random.uniform(ks[6], (L, E), minval=-stdv, maxval=stdv, dtype=jnp.float32)
    W_a = jax.random.uniform(ks[7], (L,), minval=-stdv2, maxval=stdv2, dtype=jnp.float32)
    bias = jax.random.uniform(ks[8], (E,), minval=-stdv, maxval=stdv, dtype=jnp.float32)
    return {
        "sequence": sequence,
        "pos_num": pos_num,
        "adj_mask": adj_mask,
        "adj_mat": adj_mat,
        "token_table": token_table,
        "pos_table": pos_table,
        "W_h": W_h,
        "W_a": W_a,
        "bias": bias,
    }


def reference(sequence, pos_num, adj_mask, adj_mat, token_table, pos_table, W_h, W_a, bias):
    # x = token(sequence) + position(pos_num)
    x = jnp.take(token_table, sequence, axis=0) + jnp.take(pos_table, pos_num, axis=0)
    # Adjacency_embedding: a_w = adj_mat @ W_h -> [B, L, E]
    a_w = jnp.matmul(adj_mat, W_h)
    # out = a_w.transpose(1,2) @ W_a -> [B, E]
    out = jnp.matmul(jnp.swapaxes(a_w, 1, 2), W_a)
    out = out + bias
    # repeat(1, max_len).reshape(-1, max_len, embed_size): tile per-sample vector across positions
    adj_emb = jnp.tile(out, (1, L)).reshape(-1, L, E)
    x = x + adj_mask[:, :, None] * adj_emb
    return x

if __name__ == "__main__":
    import jax
    _d = setup_inputs()
    print(jax.jit(kernel)(*tuple(_d.values())))

</pallas_src>

<mosaic_0001>
#map = affine_map<(d0, d1) -> (0, 0, 0)>
#map1 = affine_map<(d0, d1) -> (0, 0)>
module attributes {stable_mosaic.version = 14 : i64} {
  func.func @_sc_body(%arg0: i32, %arg1: i32, %arg2: memref<32x64x100xi32, #tpu.memory_space<hbm>>, %arg3: memref<32x64x100xi32, #tpu.memory_space<hbm>>, %arg4: memref<1024x200x16xf32, #tpu.memory_space<hbm>>, %arg5: memref<1024x128xf32, #tpu.memory_space<hbm>>, %arg6: memref<1000x128xf32, #tpu.memory_space<hbm>>, %arg7: memref<200x128xf32, #tpu.memory_space<hbm>>, %arg8: memref<1024x200x128xf32, #tpu.memory_space<hbm>>, %arg9: memref<64x100xi32, #tpu.memory_space<vmem>>, %arg10: memref<64x100xi32, #tpu.memory_space<vmem>>, %arg11: memref<200x16xf32, #tpu.memory_space<vmem>>, %arg12: memref<32x128xf32, #tpu.memory_space<vmem>>, %arg13: memref<200x128xf32, #tpu.memory_space<vmem>>, %arg14: memref<200x128xf32, #tpu.memory_space<vmem>>, %arg15: memref<!tpu.dma_semaphore, #tpu.memory_space<semaphore_mem>>) attributes {dimension_semantics = [#tpu.dimension_semantics<core_parallel>, #tpu.dimension_semantics<subcore_parallel>], iteration_bounds = array<i64: 2, 16>, scalar_prefetch = 0 : i64, scratch_operands = 7 : i64, tpu.core_type = #tpu.core_type<sc_vector_subcore>, window_params = [{transform_indices = #map}, {transform_indices = #map}, {transform_indices = #map}, {transform_indices = #map1}, {transform_indices = #map1}, {transform_indices = #map1}, {transform_indices = #map}]} {
    %mul3A = arith.constant 2 : i32
    %mul3A_0 = arith.muli %arg1, %mul3A : i32
    %add3A = arith.addi %mul3A_0, %arg0 : i32
    %mul3A_1 = arith.constant 32 : i32
    %mul3A_2 = arith.muli %add3A, %mul3A_1 : i32
    "tpu.region"() ({
      %run_scoped3A = tpu.sem_alloc : memref<!tpu.dma_semaphore, #tpu.memory_space<semaphore_mem>>
      %dma_start3A = arith.constant 0 : i32
      %dma_start3A_8 = arith.constant 0 : i32
      %dma_start3A_9 = tpu.memref_slice %arg2[%add3A, %dma_start3A, %dma_start3A_8] : memref<32x64x100xi32, #tpu.memory_space<hbm>> -> memref<1x64x100xi32, #tpu.memory_space<hbm>>
      %dma_start3A_10 = tpu.memref_squeeze %dma_start3A_9 : memref<1x64x100xi32, #tpu.memory_space<hbm>> -> memref<64x100xi32, #tpu.memory_space<hbm>>
      %dma_start3A_11 = arith.constant 0 : i32
      %dma_start3A_12 = arith.constant 0 : i32
      %dma_start3A_13 = tpu.memref_slice %arg2[%add3A, %dma_start3A_11, %dma_start3A_12] : memref<32x64x100xi32, #tpu.memory_space<hbm>> -> memref<1x64x100xi32, #tpu.memory_space<hbm>>
      %dma_start3A_14 = tpu.memref_squeeze %dma_start3A_13 : memref<1x64x100xi32, #tpu.memory_space<hbm>> -> memref<64x100xi32, #tpu.memory_space<hbm>>
      tpu.enqueue_dma source(%dma_start3A_14 : memref<64x100xi32, #tpu.memory_space<hbm>>) target(%arg9 : memref<64x100xi32, #tpu.memory_space<vmem>>) target_semaphore(%run_scoped3A : memref<!tpu.dma_semaphore, #tpu.memory_space<semaphore_mem>>)
      %dma_wait3A = arith.constant 0 : i32
      %dma_wait3A_15 = arith.constant 0 : i32
      %dma_wait3A_16 = tpu.memref_slice %arg2[%add3A, %dma_wait3A, %dma_wait3A_15] : memref<32x64x100xi32, #tpu.memory_space<hbm>> -> memref<1x64x100xi32, #tpu.memory_space<hbm>>
      %dma_wait3A_17 = tpu.memref_squeeze %dma_wait3A_16 : memref<1x64x100xi32, #tpu.memory_space<hbm>> -> memref<64x100xi32, #tpu.memory_space<hbm>>
      %dma_wait3A_18 = arith.constant 0 : i32
      %dma_wait3A_19 = arith.constant 0 : i32
      %dma_wait3A_20 = tpu.memref_slice %arg2[%add3A, %dma_wait3A_18, %dma_wait3A_19] : memref<32x64x100xi32, #tpu.memory_space<hbm>> -> memref<1x64x100xi32, #tpu.memory_space<hbm>>
      %dma_wait3A_21 = tpu.memref_squeeze %dma_wait3A_20 : memref<1x64x100xi32, #tpu.memory_space<hbm>> -> memref<64x100xi32, #tpu.memory_space<hbm>>
      tpu.wait_dma2 semaphore(%run_scoped3A : memref<!tpu.dma_semaphore, #tpu.memory_space<semaphore_mem>>) src(%dma_wait3A_21 : memref<64x100xi32, #tpu.memory_space<hbm>>) dst(%arg9 : memref<64x100xi32, #tpu.memory_space<vmem>>)
      tpu.yield
    }) : () -> ()
    "tpu.region"() ({
      %run_scoped3A = tpu.sem_alloc : memref<!tpu.dma_semaphore, #tpu.memory_space<semaphore_mem>>
      %dma_start3A = arith.constant 0 : i32
      %dma_start3A_8 = arith.constant 0 : i32
      %dma_start3A_9 = tpu.memref_slice %arg3[%add3A, %dma_start3A, %dma_start3A_8] : memref<32x64x100xi32, #tpu.memory_space<hbm>> -> memref<1x64x100xi32, #tpu.memory_space<hbm>>
      %dma_start3A_10 = tpu.memref_squeeze %dma_start3A_9 : memref<1x64x100xi32, #tpu.memory_space<hbm>> -> memref<64x100xi32, #tpu.memory_space<hbm>>
      %dma_start3A_11 = arith.constant 0 : i32
      %dma_start3A_12 = arith.constant 0 : i32
      %dma_start3A_13 = tpu.memref_slice %arg3[%add3A, %dma_start3A_11, %dma_start3A_12] : memref<32x64x100xi32, #tpu.memory_space<hbm>> -> memref<1x64x100xi32, #tpu.memory_space<hbm>>
      %dma_start3A_14 = tpu.memref_squeeze %dma_start3A_13 : memref<1x64x100xi32, #tpu.memory_space<hbm>> -> memref<64x100xi32, #tpu.memory_space<hbm>>
      tpu.enqueue_dma source(%dma_start3A_14 : memref<64x100xi32, #tpu.memory_space<hbm>>) target(%arg10 : memref<64x100xi32, #tpu.memory_space<vmem>>) target_semaphore(%run_scoped3A : memref<!tpu.dma_semaphore, #tpu.memory_space<semaphore_mem>>)
      %dma_wait3A = arith.constant 0 : i32
      %dma_wait3A_15 = arith.constant 0 : i32
      %dma_wait3A_16 = tpu.memref_slice %arg3[%add3A, %dma_wait3A, %dma_wait3A_15] : memref<32x64x100xi32, #tpu.memory_space<hbm>> -> memref<1x64x100xi32, #tpu.memory_space<hbm>>
      %dma_wait3A_17 = tpu.memref_squeeze %dma_wait3A_16 : memref<1x64x100xi32, #tpu.memory_space<hbm>> -> memref<64x100xi32, #tpu.memory_space<hbm>>
      %dma_wait3A_18 = arith.constant 0 : i32
      %dma_wait3A_19 = arith.constant 0 : i32
      %dma_wait3A_20 = tpu.memref_slice %arg3[%add3A, %dma_wait3A_18, %dma_wait3A_19] : memref<32x64x100xi32, #tpu.memory_space<hbm>> -> memref<1x64x100xi32, #tpu.memory_space<hbm>>
      %dma_wait3A_21 = tpu.memref_squeeze %dma_wait3A_20 : memref<1x64x100xi32, #tpu.memory_space<hbm>> -> memref<64x100xi32, #tpu.memory_space<hbm>>
      tpu.wait_dma2 semaphore(%run_scoped3A : memref<!tpu.dma_semaphore, #tpu.memory_space<semaphore_mem>>) src(%dma_wait3A_21 : memref<64x100xi32, #tpu.memory_space<hbm>>) dst(%arg10 : memref<64x100xi32, #tpu.memory_space<vmem>>)
      tpu.yield
    }) : () -> ()
    "tpu.region"() ({
      %run_scoped3A = tpu.sem_alloc : memref<!tpu.dma_semaphore, #tpu.memory_space<semaphore_mem>>
      %dma_start3A = arith.constant 0 : i32
      %dma_start3A_8 = tpu.memref_slice %arg5[%mul3A_2, %dma_start3A] : memref<1024x128xf32, #tpu.memory_space<hbm>> -> memref<32x128xf32, #tpu.memory_space<hbm>>
      %dma_start3A_9 = arith.constant 0 : i32
      %dma_start3A_10 = tpu.memref_slice %arg5[%mul3A_2, %dma_start3A_9] : memref<1024x128xf32, #tpu.memory_space<hbm>> -> memref<32x128xf32, #tpu.memory_space<hbm>>
      tpu.enqueue_dma source(%dma_start3A_10 : memref<32x128xf32, #tpu.memory_space<hbm>>) target(%arg12 : memref<32x128xf32, #tpu.memory_space<vmem>>) target_semaphore(%run_scoped3A : memref<!tpu.dma_semaphore, #tpu.memory_space<semaphore_mem>>)
      %dma_wait3A = arith.constant 0 : i32
      %dma_wait3A_11 = tpu.memref_slice %arg5[%mul3A_2, %dma_wait3A] : memref<1024x128xf32, #tpu.memory_space<hbm>> -> memref<32x128xf32, #tpu.memory_space<hbm>>
      %dma_wait3A_12 = arith.constant 0 : i32
      %dma_wait3A_13 = tpu.memref_slice %arg5[%mul3A_2, %dma_wait3A_12] : memref<1024x128xf32, #tpu.memory_space<hbm>> -> memref<32x128xf32, #tpu.memory_space<hbm>>
      tpu.wait_dma2 semaphore(%run_scoped3A : memref<!tpu.dma_semaphore, #tpu.memory_space<semaphore_mem>>) src(%dma_wait3A_13 : memref<32x128xf32, #tpu.memory_space<hbm>>) dst(%arg12 : memref<32x128xf32, #tpu.memory_space<vmem>>)
      tpu.yield
    }) : () -> ()
    %scan3A = arith.constant 0 : i32
    %scan3A_3 = arith.constant 0 : i32
    %scan3A_4 = arith.constant 32 : i32
    %scan3A_5 = arith.addi %scan3A_3, %scan3A_4 : i32
    %scan3A_6 = arith.constant 1 : i32
    scf.for %scan3A_8 = %scan3A_3 to %scan3A_5 step %scan3A_6  : i32 {
      %mul3A_9 = arith.constant 2 : i32
      %mul3A_10 = arith.muli %mul3A_9, %scan3A_8 : i32
      %dma_start3A = arith.constant 0 : i32
      %dma_start3A_11 = arith.constant 0 : i32
      %dma_start3A_12 = tpu.memref_slice %arg13[%dma_start3A, %dma_start3A_11] : memref<200x128xf32, #tpu.memory_space<vmem>> -> memref<100x128xf32, #tpu.memory_space<vmem>>
      %dma_start3A_13 = arith.constant 0 : i32
      %dma_start3A_14 = tpu.memref_slice %arg9[%mul3A_10, %dma_start3A_13] : memref<64x100xi32, #tpu.memory_space<vmem>> -> memref<1x100xi32, #tpu.memory_space<vmem>>
      %dma_start3A_15 = tpu.memref_squeeze %dma_start3A_14 : memref<1x100xi32, #tpu.memory_space<vmem>> -> memref<100xi32, #tpu.memory_space<vmem>>
      %dma_start3A_16 = arith.constant 0 : i32
      %dma_start3A_17 = arith.constant 0 : i32
      %dma_start3A_18 = tpu.memref_slice %arg6[%dma_start3A_16, %dma_start3A_17] : memref<1000x128xf32, #tpu.memory_space<hbm>> -> memref<1000x128xf32, #tpu.memory_space<hbm>>
      tpu.enqueue_indirect_dma source(%dma_start3A_18 : memref<1000x128xf32, #tpu.memory_space<hbm>>) target(%dma_start3A_12 : memref<100x128xf32, #tpu.memory_space<vmem>>) offsets(%dma_start3A_15 : memref<100xi32, #tpu.memory_space<vmem>>) semaphore(%arg15 : memref<!tpu.dma_semaphore, #tpu.memory_space<semaphore_mem>>)
      %mul3A_19 = arith.constant 2 : i32
      %mul3A_20 = arith.muli %mul3A_19, %scan3A_8 : i32
      %add3A_21 = arith.constant 1 : i32
      %add3A_22 = arith.addi %mul3A_20, %add3A_21 : i32
      %dma_start3A_23 = arith.constant 100 : i32
      %dma_start3A_24 = arith.constant 0 : i32
      %dma_start3A_25 = tpu.memref_slice %arg13[%dma_start3A_23, %dma_start3A_24] : memref<200x128xf32, #tpu.memory_space<vmem>> -> memref<100x128xf32, #tpu.memory_space<vmem>>
      %dma_start3A_26 = arith.constant 0 : i32
      %dma_start3A_27 = tpu.memref_slice %arg9[%add3A_22, %dma_start3A_26] : memref<64x100xi32, #tpu.memory_space<vmem>> -> memref<1x100xi32, #tpu.memory_space<vmem>>
      %dma_start3A_28 = tpu.memref_squeeze %dma_start3A_27 : memref<1x100xi32, #tpu.memory_space<vmem>> -> memref<100xi32, #tpu.memory_space<vmem>>
      %dma_start3A_29 = arith.constant 0 : i32
      %dma_start3A_30 = arith.constant 0 : i32
      %dma_start3A_31 = tpu.memref_slice %arg6[%dma_start3A_29, %dma_start3A_30] : memref<1000x128xf32, #tpu.memory_space<hbm>> -> memref<1000x128xf32, #tpu.memory_space<hbm>>
      tpu.enqueue_indirect_dma source(%dma_start3A_31 : memref<1000x128xf32, #tpu.memory_space<hbm>>) target(%dma_start3A_25 : memref<100x128xf32, #tpu.memory_space<vmem>>) offsets(%dma_start3A_28 : memref<100xi32, #tpu.memory_space<vmem>>) semaphore(%arg15 : memref<!tpu.dma_semaphore, #tpu.memory_space<semaphore_mem>>)
      %mul3A_32 = arith.constant 2 : i32
      %mul3A_33 = arith.muli %mul3A_32, %scan3A_8 : i32
      %dma_start3A_34 = arith.constant 0 : i32
      %dma_start3A_35 = arith.constant 0 : i32
      %dma_start3A_36 = tpu.memref_slice %arg14[%dma_start3A_34, %dma_start3A_35] : memref<200x128xf32, #tpu.memory_space<vmem>> -> memref<100x128xf32, #tpu.memory_space<vmem>>
      %dma_start3A_37 = arith.constant 0 : i32
      %dma_start3A_38 = tpu.memref_slice %arg10[%mul3A_33, %dma_start3A_37] : memref<64x100xi32, #tpu.memory_space<vmem>> -> memref<1x100xi32, #tpu.memory_space<vmem>>
      %dma_start3A_39 = tpu.memref_squeeze %dma_start3A_38 : memref<1x100xi32, #tpu.memory_space<vmem>> -> memref<100xi32, #tpu.memory_space<vmem>>
      %dma_start3A_40 = arith.constant 0 : i32
      %dma_start3A_41 = arith.constant 0 : i32
      %dma_start3A_42 = tpu.memref_slice %arg7[%dma_start3A_40, %dma_start3A_41] : memref<200x128xf32, #tpu.memory_space<hbm>> -> memref<200x128xf32, #tpu.memory_space<hbm>>
      tpu.enqueue_indirect_dma source(%dma_start3A_42 : memref<200x128xf32, #tpu.memory_space<hbm>>) target(%dma_start3A_36 : memref<100x128xf32, #tpu.memory_space<vmem>>) offsets(%dma_start3A_39 : memref<100xi32, #tpu.memory_space<vmem>>) semaphore(%arg15 : memref<!tpu.dma_semaphore, #tpu.memory_space<semaphore_mem>>)
      %mul3A_43 = arith.constant 2 : i32
      %mul3A_44 = arith.muli %mul3A_43, %scan3A_8 : i32
      %add3A_45 = arith.constant 1 : i32
      %add3A_46 = arith.addi %mul3A_44, %add3A_45 : i32
      %dma_start3A_47 = arith.constant 100 : i32
      %dma_start3A_48 = arith.constant 0 : i32
      %dma_start3A_49 = tpu.memref_slice %arg14[%dma_start3A_47, %dma_start3A_48] : memref<200x128xf32, #tpu.memory_space<vmem>> -> memref<100x128xf32, #tpu.memory_space<vmem>>
      %dma_start3A_50 = arith.constant 0 : i32
      %dma_start3A_51 = tpu.memref_slice %arg10[%add3A_46, %dma_start3A_50] : memref<64x100xi32, #tpu.memory_space<vmem>> -> memref<1x100xi32, #tpu.memory_space<vmem>>
      %dma_start3A_52 = tpu.memref_squeeze %dma_start3A_51 : memref<1x100xi32, #tpu.memory_space<vmem>> -> memref<100xi32, #tpu.memory_space<vmem>>
      %dma_start3A_53 = arith.constant 0 : i32
      %dma_start3A_54 = arith.constant 0 : i32
      %dma_start3A_55 = tpu.memref_slice %arg7[%dma_start3A_53, %dma_start3A_54] : memref<200x128xf32, #tpu.memory_space<hbm>> -> memref<200x128xf32, #tpu.memory_space<hbm>>
      tpu.enqueue_indirect_dma source(%dma_start3A_55 : memref<200x128xf32, #tpu.memory_space<hbm>>) target(%dma_start3A_49 : memref<100x128xf32, #tpu.memory_space<vmem>>) offsets(%dma_start3A_52 : memref<100xi32, #tpu.memory_space<vmem>>) semaphore(%arg15 : memref<!tpu.dma_semaphore, #tpu.memory_space<semaphore_mem>>)
      %add3A_56 = arith.addi %mul3A_2, %scan3A_8 : i32
      %dma_start3A_57 = arith.constant 0 : i32
      %dma_start3A_58 = arith.constant 0 : i32
      %dma_start3A_59 = tpu.memref_slice %arg4[%add3A_56, %dma_start3A_57, %dma_start3A_58] : memref<1024x200x16xf32, #tpu.memory_space<hbm>> -> memref<1x200x16xf32, #tpu.memory_space<hbm>>
      %dma_start3A_60 = tpu.memref_squeeze %dma_start3A_59 : memref<1x200x16xf32, #tpu.memory_space<hbm>> -> memref<200x16xf32, #tpu.memory_space<hbm>>
      %dma_start3A_61 = arith.constant 0 : i32
      %dma_start3A_62 = arith.constant 0 : i32
      %dma_start3A_63 = tpu.memref_slice %arg4[%add3A_56, %dma_start3A_61, %dma_start3A_62] : memref<1024x200x16xf32, #tpu.memory_space<hbm>> -> memref<1x200x16xf32, #tpu.memory_space<hbm>>
      %dma_start3A_64 = tpu.memref_squeeze %dma_start3A_63 : memref<1x200x16xf32, #tpu.memory_space<hbm>> -> memref<200x16xf32, #tpu.memory_space<hbm>>
      tpu.enqueue_dma source(%dma_start3A_64 : memref<200x16xf32, #tpu.memory_space<hbm>>) target(%arg11 : memref<200x16xf32, #tpu.memory_space<vmem>>) target_semaphore(%arg15 : memref<!tpu.dma_semaphore, #tpu.memory_space<semaphore_mem>>)
      %dma_wait3A = arith.constant 0 : i32
      %dma_wait3A_65 = arith.constant 0 : i32
      %dma_wait3A_66 = tpu.memref_slice %arg13[%dma_wait3A, %dma_wait3A_65] : memref<200x128xf32, #tpu.memory_space<vmem>> -> memref<100x128xf32, #tpu.memory_space<vmem>>
      %dma_wait3A_67 = arith.constant 0 : i32
      %dma_wait3A_68 = tpu.memref_slice %arg9[%mul3A_10, %dma_wait3A_67] : memref<64x100xi32, #tpu.memory_space<vmem>> -> memref<1x100xi32, #tpu.memory_space<vmem>>
      %dma_wait3A_69 = tpu.memref_squeeze %dma_wait3A_68 : memref<1x100xi32, #tpu.memory_space<vmem>> -> memref<100xi32, #tpu.memory_space<vmem>>
      %dma_wait3A_70 = arith.constant 0 : i32
      %dma_wait3A_71 = arith.constant 0 : i32
      %dma_wait3A_72 = tpu.memref_slice %arg6[%dma_wait3A_70, %dma_wait3A_71] : memref<1000x128xf32, #tpu.memory_space<hbm>> -> memref<1000x128xf32, #tpu.memory_space<hbm>>
      tpu.wait_indirect_dma semaphore(%arg15 : memref<!tpu.dma_semaphore, #tpu.memory_space<semaphore_mem>>) src(%dma_wait3A_72 : memref<1000x128xf32, #tpu.memory_space<hbm>>) dst(%dma_wait3A_66 : memref<100x128xf32, #tpu.memory_space<vmem>>)
      %dma_wait3A_73 = arith.constant 100 : i32
      %dma_wait3A_74 = arith.constant 0 : i32
      %dma_wait3A_75 = tpu.memref_slice %arg13[%dma_wait3A_73, %dma_wait3A_74] : memref<200x128xf32, #tpu.memory_space<vmem>> -> memref<100x128xf32, #tpu.memory_space<vmem>>
      %dma_wait3A_76 = arith.constant 0 : i32
      %dma_wait3A_77 = tpu.memref_slice %arg9[%add3A_22, %dma_wait3A_76] : memref<64x100xi32, #tpu.memory_space<vmem>> -> memref<1x100xi32, #tpu.memory_space<vmem>>
      %dma_wait3A_78 = tpu.memref_squeeze %dma_wait3A_77 : memref<1x100xi32, #tpu.memory_space<vmem>> -> memref<100xi32, #tpu.memory_space<vmem>>
      %dma_wait3A_79 = arith.constant 0 : i32
      %dma_wait3A_80 = arith.constant 0 : i32
      %dma_wait3A_81 = tpu.memref_slice %arg6[%dma_wait3A_79, %dma_wait3A_80] : memref<1000x128xf32, #tpu.memory_space<hbm>> -> memref<1000x128xf32, #tpu.memory_space<hbm>>
      tpu.wait_indirect_dma semaphore(%arg15 : memref<!tpu.dma_semaphore, #tpu.memory_space<semaphore_mem>>) src(%dma_wait3A_81 : memref<1000x128xf32, #tpu.memory_space<hbm>>) dst(%dma_wait3A_75 : memref<100x128xf32, #tpu.memory_space<vmem>>)
      %dma_wait3A_82 = arith.constant 0 : i32
      %dma_wait3A_83 = arith.constant 0 : i32
      %dma_wait3A_84 = tpu.memref_slice %arg14[%dma_wait3A_82, %dma_wait3A_83] : memref<200x128xf32, #tpu.memory_space<vmem>> -> memref<100x128xf32, #tpu.memory_space<vmem>>
      %dma_wait3A_85 = arith.constant 0 : i32
      %dma_wait3A_86 = tpu.memref_slice %arg10[%mul3A_33, %dma_wait3A_85] : memref<64x100xi32, #tpu.memory_space<vmem>> -> memref<1x100xi32, #tpu.memory_space<vmem>>
      %dma_wait3A_87 = tpu.memref_squeeze %dma_wait3A_86 : memref<1x100xi32, #tpu.memory_space<vmem>> -> memref<100xi32, #tpu.memory_space<vmem>>
      %dma_wait3A_88 = arith.constant 0 : i32
      %dma_wait3A_89 = arith.constant 0 : i32
      %dma_wait3A_90 = tpu.memref_slice %arg7[%dma_wait3A_88, %dma_wait3A_89] : memref<200x128xf32, #tpu.memory_space<hbm>> -> memref<200x128xf32, #tpu.memory_space<hbm>>
      tpu.wait_indirect_dma semaphore(%arg15 : memref<!tpu.dma_semaphore, #tpu.memory_space<semaphore_mem>>) src(%dma_wait3A_90 : memref<200x128xf32, #tpu.memory_space<hbm>>) dst(%dma_wait3A_84 : memref<100x128xf32, #tpu.memory_space<vmem>>)
      %dma_wait3A_91 = arith.constant 100 : i32
      %dma_wait3A_92 = arith.constant 0 : i32
      %dma_wait3A_93 = tpu.memref_slice %arg14[%dma_wait3A_91, %dma_wait3A_92] : memref<200x128xf32, #tpu.memory_space<vmem>> -> memref<100x128xf32, #tpu.memory_space<vmem>>
      %dma_wait3A_94 = arith.constant 0 : i32
      %dma_wait3A_95 = tpu.memref_slice %arg10[%add3A_46, %dma_wait3A_94] : memref<64x100xi32, #tpu.memory_space<vmem>> -> memref<1x100xi32, #tpu.memory_space<vmem>>
      %dma_wait3A_96 = tpu.memref_squeeze %dma_wait3A_95 : memref<1x100xi32, #tpu.memory_space<vmem>> -> memref<100xi32, #tpu.memory_space<vmem>>
      %dma_wait3A_97 = arith.constant 0 : i32
      %dma_wait3A_98 = arith.constant 0 : i32
      %dma_wait3A_99 = tpu.memref_slice %arg7[%dma_wait3A_97, %dma_wait3A_98] : memref<200x128xf32, #tpu.memory_space<hbm>> -> memref<200x128xf32, #tpu.memory_space<hbm>>
      tpu.wait_indirect_dma semaphore(%arg15 : memref<!tpu.dma_semaphore, #tpu.memory_space<semaphore_mem>>) src(%dma_wait3A_99 : memref<200x128xf32, #tpu.memory_space<hbm>>) dst(%dma_wait3A_93 : memref<100x128xf32, #tpu.memory_space<vmem>>)
      %dma_wait3A_100 = arith.constant 0 : i32
      %dma_wait3A_101 = arith.constant 0 : i32
      %dma_wait3A_102 = tpu.memref_slice %arg4[%add3A_56, %dma_wait3A_100, %dma_wait3A_101] : memref<1024x200x16xf32, #tpu.memory_space<hbm>> -> memref<1x200x16xf32, #tpu.memory_space<hbm>>
      %dma_wait3A_103 = tpu.memref_squeeze %dma_wait3A_102 : memref<1x200x16xf32, #tpu.memory_space<hbm>> -> memref<200x16xf32, #tpu.memory_space<hbm>>
      %dma_wait3A_104 = arith.constant 0 : i32
      %dma_wait3A_105 = arith.constant 0 : i32
      %dma_wait3A_106 = tpu.memref_slice %arg4[%add3A_56, %dma_wait3A_104, %dma_wait3A_105] : memref<1024x200x16xf32, #tpu.memory_space<hbm>> -> memref<1x200x16xf32, #tpu.memory_space<hbm>>
      %dma_wait3A_107 = tpu.memref_squeeze %dma_wait3A_106 : memref<1x200x16xf32, #tpu.memory_space<hbm>> -> memref<200x16xf32, #tpu.memory_space<hbm>>
      tpu.wait_dma2 semaphore(%arg15 : memref<!tpu.dma_semaphore, #tpu.memory_space<semaphore_mem>>) src(%dma_wait3A_107 : memref<200x16xf32, #tpu.memory_space<hbm>>) dst(%arg11 : memref<200x16xf32, #tpu.memory_space<vmem>>)
      %get3A = arith.index_cast %scan3A_8 : i32 to index
      %get3A_108 = arith.constant 0 : index
      %get3A_109 = tpu.vector_load %arg12[%get3A, %get3A_108] {strides = array<i32>} : memref<32x128xf32, #tpu.memory_space<vmem>>, vector<1x16xf32>,
      %get3A_110 = vector.shape_cast %get3A_109 : vector<1x16xf32> to vector<16xf32>
      %get3A_111 = arith.index_cast %scan3A_8 : i32 to index
      %get3A_112 = arith.constant 16 : index
      %get3A_113 = tpu.vector_load %arg12[%get3A_111, %get3A_112] {strides = array<i32>} : memref<32x128xf32, #tpu.memory_space<vmem>>, vector<1x16xf32>,
      %get3A_114 = vector.shape_cast %get3A_113 : vector<1x16xf32> to vector<16xf32>
      %get3A_115 = arith.index_cast %scan3A_8 : i32 to index
      %get3A_116 = arith.constant 32 : index
      %get3A_117 = tpu.vector_load %arg12[%get3A_115, %get3A_116] {strides = array<i32>} : memref<32x128xf32, #tpu.memory_space<vmem>>, vector<1x16xf32>,
      %get3A_118 = vector.shape_cast %get3A_117 : vector<1x16xf32> to vector<16xf32>
      %get3A_119 = arith.index_cast %scan3A_8 : i32 to index
      %get3A_120 = arith.constant 48 : index
      %get3A_121 = tpu.vector_load %arg12[%get3A_119, %get3A_120] {strides = array<i32>} : memref<32x128xf32, #tpu.memory_space<vmem>>, vector<1x16xf32>,
      %get3A_122 = vector.shape_cast %get3A_121 : vector<1x16xf32> to vector<16xf32>
      %get3A_123 = arith.index_cast %scan3A_8 : i32 to index
      %get3A_124 = arith.constant 64 : index
      %get3A_125 = tpu.vector_load %arg12[%get3A_123, %get3A_124] {strides = array<i32>} : memref<32x128xf32, #tpu.memory_space<vmem>>, vector<1x16xf32>,
      %get3A_126 = vector.shape_cast %get3A_125 : vector<1x16xf32> to vector<16xf32>
      %get3A_127 = arith.index_cast %scan3A_8 : i32 to index
      %get3A_128 = arith.constant 80 : index
      %get3A_129 = tpu.vector_load %arg12[%get3A_127, %get3A_128] {strides = array<i32>} : memref<32x128xf32, #tpu.memory_space<vmem>>, vector<1x16xf32>,
      %get3A_130 = vector.shape_cast %get3A_129 : vector<1x16xf32> to vector<16xf32>
      %get3A_131 = arith.index_cast %scan3A_8 : i32 to index
      %get3A_132 = arith.constant 96 : index
      %get3A_133 = tpu.vector_load %arg12[%get3A_131, %get3A_132] {strides = array<i32>} : memref<32x128xf32, #tpu.memory_space<vmem>>, vector<1x16xf32>,
      %get3A_134 = vector.shape_cast %get3A_133 : vector<1x16xf32> to vector<16xf32>
      %get3A_135 = arith.index_cast %scan3A_8 : i32 to index
      %get3A_136 = arith.constant 112 : index
      %get3A_137 = tpu.vector_load %arg12[%get3A_135, %get3A_136] {strides = array<i32>} : memref<32x128xf32, #tpu.memory_space<vmem>>, vector<1x16xf32>,
      %get3A_138 = vector.shape_cast %get3A_137 : vector<1x16xf32> to vector<16xf32>
      %scan3A_139 = arith.constant 0 : i32
      %scan3A_140 = arith.constant 0 : i32
      %scan3A_141 = arith.constant 200 : i32
      %scan3A_142 = arith.addi %scan3A_140, %scan3A_141 : i32
      %scan3A_143 = arith.constant 1 : i32
      scf.for %scan3A_146 = %scan3A_140 to %scan3A_142 step %scan3A_143  : i32 {
        %get3A_147 = arith.index_cast %scan3A_146 : i32 to index
        %get3A_148 = arith.constant 0 : index
        %get3A_149 = tpu.vector_load %arg11[%get3A_147, %get3A_148] {strides = array<i32>} : memref<200x16xf32, #tpu.memory_space<vmem>>, vector<1x16xf32>,
        %get3A_150 = vector.shape_cast %get3A_149 : vector<1x16xf32> to vector<16xf32>
        %get3A_151 = arith.index_cast %scan3A_146 : i32 to index
        %get3A_152 = arith.constant 0 : index
        %get3A_153 = tpu.vector_load %arg13[%get3A_151, %get3A_152] {strides = array<i32>} : memref<200x128xf32, #tpu.memory_space<vmem>>, vector<1x16xf32>,
        %get3A_154 = vector.shape_cast %get3A_153 : vector<1x16xf32> to vector<16xf32>
        %get3A_155 = arith.index_cast %scan3A_146 : i32 to index
        %get3A_156 = arith.constant 0 : index
        %get3A_157 = tpu.vector_load %arg14[%get3A_155, %get3A_156] {strides = array<i32>} : memref<200x128xf32, #tpu.memory_space<vmem>>, vector<1x16xf32>,
        %get3A_158 = vector.shape_cast %get3A_157 : vector<1x16xf32> to vector<16xf32>
        %add3A_159 = arith.addf %get3A_154, %get3A_158 : vector<16xf32>
        %mul3A_160 = arith.mulf %get3A_150, %get3A_110 : vector<16xf32>
        %add3A_161 = arith.addf %add3A_159, %mul3A_160 : vector<16xf32>
        %swap3A = arith.index_cast %scan3A_146 : i32 to index
        %swap3A_162 = arith.constant 0 : index
        %swap3A_163 = tpu.vector_load %arg13[%swap3A, %swap3A_162] {strides = array<i32>} : memref<200x128xf32, #tpu.memory_space<vmem>>, vector<1x16xf32>,
        %swap3A_164 = vector.shape_cast %swap3A_163 : vector<1x16xf32> to vector<16xf32>
        %swap3A_165 = vector.shape_cast %add3A_161 : vector<16xf32> to vector<1x16xf32>
        tpu.vector_store %arg13[%swap3A, %swap3A_162], %swap3A_165 {strides = array<i32>} : memref<200x128xf32, #tpu.memory_space<vmem>>, vector<1x16xf32>,
        %get3A_166 = arith.index_cast %scan3A_146 : i32 to index
        %get3A_167 = arith.constant 16 : index
        %get3A_168 = tpu.vector_load %arg13[%get3A_166, %get3A_167] {strides = array<i32>} : memref<200x128xf32, #tpu.memory_space<vmem>>, vector<1x16xf32>,
        %get3A_169 = vector.shape_cast %get3A_168 : vector<1x16xf32> to vector<16xf32>
        %get3A_170 = arith.index_cast %scan3A_146 : i32 to index
        %get3A_171 = arith.constant 16 : index
        %get3A_172 = tpu.vector_load %arg14[%get3A_170, %get3A_171] {strides = array<i32>} : memref<200x128xf32, #tpu.memory_space<vmem>>, vector<1x16xf32>,
        %get3A_173 = vector.shape_cast %get3A_172 : vector<1x16xf32> to vector<16xf32>
        %add3A_174 = arith.addf %get3A_169, %get3A_173 : vector<16xf32>
        %mul3A_175 = arith.mulf %get3A_150, %get3A_114 : vector<16xf32>
        %add3A_176 = arith.addf %add3A_174, %mul3A_175 : vector<16xf32>
        %swap3A_177 = arith.index_cast %scan3A_146 : i32 to index
        %swap3A_178 = arith.constant 16 : index
        %swap3A_179 = tpu.vector_load %arg13[%swap3A_177, %swap3A_178] {strides = array<i32>} : memref<200x128xf32, #tpu.memory_space<vmem>>, vector<1x16xf32>,
        %swap3A_180 = vector.shape_cast %swap3A_179 : vector<1x16xf32> to vector<16xf32>
        %swap3A_181 = vector.shape_cast %add3A_176 : vector<16xf32> to vector<1x16xf32>
        tpu.vector_store %arg13[%swap3A_177, %swap3A_178], %swap3A_181 {strides = array<i32>} : memref<200x128xf32, #tpu.memory_space<vmem>>, vector<1x16xf32>,
        %get3A_182 = arith.index_cast %scan3A_146 : i32 to index
        %get3A_183 = arith.constant 32 : index
        %get3A_184 = tpu.vector_load %arg13[%get3A_182, %get3A_183] {strides = array<i32>} : memref<200x128xf32, #tpu.memory_space<vmem>>, vector<1x16xf32>,
        %get3A_185 = vector.shape_cast %get3A_184 : vector<1x16xf32> to vector<16xf32>
        %get3A_186 = arith.index_cast %scan3A_146 : i32 to index
        %get3A_187 = arith.constant 32 : index
        %get3A_188 = tpu.vector_load %arg14[%get3A_186, %get3A_187] {strides = array<i32>} : memref<200x128xf32, #tpu.memory_space<vmem>>, vector<1x16xf32>,
        %get3A_189 = vector.shape_cast %get3A_188 : vector<1x16xf32> to vector<16xf32>
        %add3A_190 = arith.addf %get3A_185, %get3A_189 : vector<16xf32>
        %mul3A_191 = arith.mulf %get3A_150, %get3A_118 : vector<16xf32>
        %add3A_192 = arith.addf %add3A_190, %mul3A_191 : vector<16xf32>
        %swap3A_193 = arith.index_cast %scan3A_146 : i32 to index
        %swap3A_194 = arith.constant 32 : index
        %swap3A_195 = tpu.vector_load %arg13[%swap3A_193, %swap3A_194] {strides = array<i32>} : memref<200x128xf32, #tpu.memory_space<vmem>>, vector<1x16xf32>,
        %swap3A_196 = vector.shape_cast %swap3A_195 : vector<1x16xf32> to vector<16xf32>
        %swap3A_197 = vector.shape_cast %add3A_192 : vector<16xf32> to vector<1x16xf32>
        tpu.vector_store %arg13[%swap3A_193, %swap3A_194], %swap3A_197 {strides = array<i32>} : memref<200x128xf32, #tpu.memory_space<vmem>>, vector<1x16xf32>,
        %get3A_198 = arith.index_cast %scan3A_146 : i32 to index
        %get3A_199 = arith.constant 48 : index
        %get3A_200 = tpu.vector_load %arg13[%get3A_198, %get3A_199] {strides = array<i32>} : memref<200x128xf32, #tpu.memory_space<vmem>>, vector<1x16xf32>,
        %get3A_201 = vector.shape_cast %get3A_200 : vector<1x16xf32> to vector<16xf32>
        %get3A_202 = arith.index_cast %scan3A_146 : i32 to index
        %get3A_203 = arith.constant 48 : index
        %get3A_204 = tpu.vector_load %arg14[%get3A_202, %get3A_203] {strides = array<i32>} : memref<200x128xf32, #tpu.memory_space<vmem>>, vector<1x16xf32>,
        %get3A_205 = vector.shape_cast %get3A_204 : vector<1x16xf32> to vector<16xf32>
        %add3A_206 = arith.addf %get3A_201, %get3A_205 : vector<16xf32>
        %mul3A_207 = arith.mulf %get3A_150, %get3A_122 : vector<16xf32>
        %add3A_208 = arith.addf %add3A_206, %mul3A_207 : vector<16xf32>
        %swap3A_209 = arith.index_cast %scan3A_146 : i32 to index
        %swap3A_210 = arith.constant 48 : index
        %swap3A_211 = tpu.vector_load %arg13[%swap3A_209, %swap3A_210] {strides = array<i32>} : memref<200x128xf32, #tpu.memory_space<vmem>>, vector<1x16xf32>,
        %swap3A_212 = vector.shape_cast %swap3A_211 : vector<1x16xf32> to vector<16xf32>
        %swap3A_213 = vector.shape_cast %add3A_208 : vector<16xf32> to vector<1x16xf32>
        tpu.vector_store %arg13[%swap3A_209, %swap3A_210], %swap3A_213 {strides = array<i32>} : memref<200x128xf32, #tpu.memory_space<vmem>>, vector<1x16xf32>,
        %get3A_214 = arith.index_cast %scan3A_146 : i32 to index
        %get3A_215 = arith.constant 64 : index
        %get3A_216 = tpu.vector_load %arg13[%get3A_214, %get3A_215] {strides = array<i32>} : memref<200x128xf32, #tpu.memory_space<vmem>>, vector<1x16xf32>,
        %get3A_217 = vector.shape_cast %get3A_216 : vector<1x16xf32> to vector<16xf32>
        %get3A_218 = arith.index_cast %scan3A_146 : i32 to index
        %get3A_219 = arith.constant 64 : index
        %get3A_220 = tpu.vector_load %arg14[%get3A_218, %get3A_219] {strides = array<i32>} : memref<200x128xf32, #tpu.memory_space<vmem>>, vector<1x16xf32>,
        %get3A_221 = vector.shape_cast %get3A_220 : vector<1x16xf32> to vector<16xf32>
        %add3A_222 = arith.addf %get3A_217, %get3A_221 : vector<16xf32>
        %mul3A_223 = arith.mulf %get3A_150, %get3A_126 : vector<16xf32>
        %add3A_224 = arith.addf %add3A_222, %mul3A_223 : vector<16xf32>
        %swap3A_225 = arith.index_cast %scan3A_146 : i32 to index
        %swap3A_226 = arith.constant 64 : index
        %swap3A_227 = tpu.vector_load %arg13[%swap3A_225, %swap3A_226] {strides = array<i32>} : memref<200x128xf32, #tpu.memory_space<vmem>>, vector<1x16xf32>,
        %swap3A_228 = vector.shape_cast %swap3A_227 : vector<1x16xf32> to vector<16xf32>
        %swap3A_229 = vector.shape_cast %add3A_224 : vector<16xf32> to vector<1x16xf32>
        tpu.vector_store %arg13[%swap3A_225, %swap3A_226], %swap3A_229 {strides = array<i32>} : memref<200x128xf32, #tpu.memory_space<vmem>>, vector<1x16xf32>,
        %get3A_230 = arith.index_cast %scan3A_146 : i32 to index
        %get3A_231 = arith.constant 80 : index
        %get3A_232 = tpu.vector_load %arg13[%get3A_230, %get3A_231] {strides = array<i32>} : memref<200x128xf32, #tpu.memory_space<vmem>>, vector<1x16xf32>,
        %get3A_233 = vector.shape_cast %get3A_232 : vector<1x16xf32> to vector<16xf32>
        %get3A_234 = arith.index_cast %scan3A_146 : i32 to index
        %get3A_235 = arith.constant 80 : index
        %get3A_236 = tpu.vector_load %arg14[%get3A_234, %get3A_235] {strides = array<i32>} : memref<200x128xf32, #tpu.memory_space<vmem>>, vector<1x16xf32>,
        %get3A_237 = vector.shape_cast %get3A_236 : vector<1x16xf32> to vector<16xf32>
        %add3A_238 = arith.addf %get3A_233, %get3A_237 : vector<16xf32>
        %mul3A_239 = arith.mulf %get3A_150, %get3A_130 : vector<16xf32>
        %add3A_240 = arith.addf %add3A_238, %mul3A_239 : vector<16xf32>
        %swap3A_241 = arith.index_cast %scan3A_146 : i32 to index
        %swap3A_242 = arith.constant 80 : index
        %swap3A_243 = tpu.vector_load %arg13[%swap3A_241, %swap3A_242] {strides = array<i32>} : memref<200x128xf32, #tpu.memory_space<vmem>>, vector<1x16xf32>,
        %swap3A_244 = vector.shape_cast %swap3A_243 : vector<1x16xf32> to vector<16xf32>
        %swap3A_245 = vector.shape_cast %add3A_240 : vector<16xf32> to vector<1x16xf32>
        tpu.vector_store %arg13[%swap3A_241, %swap3A_242], %swap3A_245 {strides = array<i32>} : memref<200x128xf32, #tpu.memory_space<vmem>>, vector<1x16xf32>,
        %get3A_246 = arith.index_cast %scan3A_146 : i32 to index
        %get3A_247 = arith.constant 96 : index
        %get3A_248 = tpu.vector_load %arg13[%get3A_246, %get3A_247] {strides = array<i32>} : memref<200x128xf32, #tpu.memory_space<vmem>>, vector<1x16xf32>,
        %get3A_249 = vector.shape_cast %get3A_248 : vector<1x16xf32> to vector<16xf32>
        %get3A_250 = arith.index_cast %scan3A_146 : i32 to index
        %get3A_251 = arith.constant 96 : index
        %get3A_252 = tpu.vector_load %arg14[%get3A_250, %get3A_251] {strides = array<i32>} : memref<200x128xf32, #tpu.memory_space<vmem>>, vector<1x16xf32>,
        %get3A_253 = vector.shape_cast %get3A_252 : vector<1x16xf32> to vector<16xf32>
        %add3A_254 = arith.addf %get3A_249, %get3A_253 : vector<16xf32>
        %mul3A_255 = arith.mulf %get3A_150, %get3A_134 : vector<16xf32>
        %add3A_256 = arith.addf %add3A_254, %mul3A_255 : vector<16xf32>
        %swap3A_257 = arith.index_cast %scan3A_146 : i32 to index
        %swap3A_258 = arith.constant 96 : index
        %swap3A_259 = tpu.vector_load %arg13[%swap3A_257, %swap3A_258] {strides = array<i32>} : memref<200x128xf32, #tpu.memory_space<vmem>>, vector<1x16xf32>,
        %swap3A_260 = vector.shape_cast %swap3A_259 : vector<1x16xf32> to vector<16xf32>
        %swap3A_261 = vector.shape_cast %add3A_256 : vector<16xf32> to vector<1x16xf32>
        tpu.vector_store %arg13[%swap3A_257, %swap3A_258], %swap3A_261 {strides = array<i32>} : memref<200x128xf32, #tpu.memory_space<vmem>>, vector<1x16xf32>,
        %get3A_262 = arith.index_cast %scan3A_146 : i32 to index
        %get3A_263 = arith.constant 112 : index
        %get3A_264 = tpu.vector_load %arg13[%get3A_262, %get3A_263] {strides = array<i32>} : memref<200x128xf32, #tpu.memory_space<vmem>>, vector<1x16xf32>,
        %get3A_265 = vector.shape_cast %get3A_264 : vector<1x16xf32> to vector<16xf32>
        %get3A_266 = arith.index_cast %scan3A_146 : i32 to index
        %get3A_267 = arith.constant 112 : index
        %get3A_268 = tpu.vector_load %arg14[%get3A_266, %get3A_267] {strides = array<i32>} : memref<200x128xf32, #tpu.memory_space<vmem>>, vector<1x16xf32>,
        %get3A_269 = vector.shape_cast %get3A_268 : vector<1x16xf32> to vector<16xf32>
        %add3A_270 = arith.addf %get3A_265, %get3A_269 : vector<16xf32>
        %mul3A_271 = arith.mulf %get3A_150, %get3A_138 : vector<16xf32>
        %add3A_272 = arith.addf %add3A_270, %mul3A_271 : vector<16xf32>
        %swap3A_273 = arith.index_cast %scan3A_146 : i32 to index
        %swap3A_274 = arith.constant 112 : index
        %swap3A_275 = tpu.vector_load %arg13[%swap3A_273, %swap3A_274] {strides = array<i32>} : memref<200x128xf32, #tpu.memory_space<vmem>>, vector<1x16xf32>,
        %swap3A_276 = vector.shape_cast %swap3A_275 : vector<1x16xf32> to vector<16xf32>
        %swap3A_277 = vector.shape_cast %add3A_272 : vector<16xf32> to vector<1x16xf32>
        tpu.vector_store %arg13[%swap3A_273, %swap3A_274], %swap3A_277 {strides = array<i32>} : memref<200x128xf32, #tpu.memory_space<vmem>>, vector<1x16xf32>,
      }
      %scan3A_144 = arith.constant 200 : i32
      %add3A_145 = arith.addi %mul3A_2, %scan3A_8 : i32
      "tpu.region"() ({
        %run_scoped3A = tpu.sem_alloc : memref<!tpu.dma_semaphore, #tpu.memory_space<semaphore_mem>>
        %dma_start3A_146 = arith.constant 0 : i32
        %dma_start3A_147 = arith.constant 0 : i32
        %dma_start3A_148 = tpu.memref_slice %arg8[%add3A_145, %dma_start3A_146, %dma_start3A_147] : memref<1024x200x128xf32, #tpu.memory_space<hbm>> -> memref<1x200x128xf32, #tpu.memory_space<hbm>>
        %dma_start3A_149 = tpu.memref_squeeze %dma_start3A_148 : memref<1x200x128xf32, #tpu.memory_space<hbm>> -> memref<200x128xf32, #tpu.memory_space<hbm>>
        %dma_start3A_150 = arith.constant 0 : i32
        %dma_start3A_151 = arith.constant 0 : i32
        %dma_start3A_152 = tpu.memref_slice %arg8[%add3A_145, %dma_start3A_150, %dma_start3A_151] : memref<1024x200x128xf32, #tpu.memory_space<hbm>> -> memref<1x200x128xf32, #tpu.memory_space<hbm>>
        %dma_start3A_153 = tpu.memref_squeeze %dma_start3A_152 : memref<1x200x128xf32, #tpu.memory_space<hbm>> -> memref<200x128xf32, #tpu.memory_space<hbm>>
        tpu.enqueue_dma source(%arg13 : memref<200x128xf32, #tpu.memory_space<vmem>>) target(%dma_start3A_153 : memref<200x128xf32, #tpu.memory_space<hbm>>) target_semaphore(%run_scoped3A : memref<!tpu.dma_semaphore, #tpu.memory_space<semaphore_mem>>)
        %dma_wait3A_154 = arith.constant 0 : i32
        %dma_wait3A_155 = arith.constant 0 : i32
        %dma_wait3A_156 = tpu.memref_slice %arg8[%add3A_145, %dma_wait3A_154, %dma_wait3A_155] : memref<1024x200x128xf32, #tpu.memory_space<hbm>> -> memref<1x200x128xf32, #tpu.memory_space<hbm>>
        %dma_wait3A_157 = tpu.memref_squeeze %dma_wait3A_156 : memref<1x200x128xf32, #tpu.memory_space<hbm>> -> memref<200x128xf32, #tpu.memory_space<hbm>>
        %dma_wait3A_158 = arith.constant 0 : i32
        %dma_wait3A_159 = arith.constant 0 : i32
        %dma_wait3A_160 = tpu.memref_slice %arg8[%add3A_145, %dma_wait3A_158, %dma_wait3A_159] : memref<1024x200x128xf32, #tpu.memory_space<hbm>> -> memref<1x200x128xf32, #tpu.memory_space<hbm>>
        %dma_wait3A_161 = tpu.memref_squeeze %dma_wait3A_160 : memref<1x200x128xf32, #tpu.memory_space<hbm>> -> memref<200x128xf32, #tpu.memory_space<hbm>>
        tpu.wait_dma2 semaphore(%run_scoped3A : memref<!tpu.dma_semaphore, #tpu.memory_space<semaphore_mem>>) src(%arg13 : memref<200x128xf32, #tpu.memory_space<vmem>>) dst(%dma_wait3A_161 : memref<200x128xf32, #tpu.memory_space<hbm>>)
        tpu.yield
      }) : () -> ()
    }
    %scan3A_7 = arith.constant 32 : i32
    return
  }
}

module attributes {stable_mosaic.version = 14 : i64} {
  func.func @_adjT_kernel(%arg0: i32, %arg1: i32, %arg2: memref<200x8x128xf32, #tpu.memory_space<vmem>>, %arg3: memref<1x200xf32, #tpu.memory_space<vmem>>, %arg4: memref<8x128xf32, #tpu.memory_space<vmem>>) attributes {dimension_semantics = [#tpu.dimension_semantics<arbitrary>, #tpu.dimension_semantics<arbitrary>], iteration_bounds = array<i64: 25, 8>, scalar_prefetch = 0 : i64, scratch_operands = 0 : i64, tpu.core_type = #tpu.core_type<tc>, window_params = [{transform_indices = @transform_0, window_bounds = array<i64: 200, 8, 128>}, {pipeline_mode = #tpu.pipeline_mode<synchronous>, transform_indices = @transform_1, window_bounds = array<i64: 1, 200>}, {transform_indices = @transform_2, window_bounds = array<i64: 8, 128>}]} {
    %get3A = arith.constant 0 : index
    %get3A_0 = arith.constant 0 : index
    %get3A_1 = arith.constant 0 : index
    %get3A_2 = vector.load %arg2[%get3A, %get3A_0, %get3A_1] : memref<200x8x128xf32, #tpu.memory_space<vmem>>, vector<200x8x128xf32>
    %reshape3A = vector.shape_cast %get3A_2 : vector<200x8x128xf32> to vector<200x1024xf32>
    %get3A_3 = arith.constant 0 : index
    %get3A_4 = arith.constant 0 : index
    %get3A_5 = vector.load %arg3[%get3A_3, %get3A_4] : memref<1x200xf32, #tpu.memory_space<vmem>>, vector<1x200xf32>
    %dot_general3A = arith.constant dense<0.000000e+00> : vector<1x1024xf32>
    %dot_general3A_6 = tpu.matmul %get3A_5, %reshape3A, %dot_general3A {dimension_numbers = #tpu.dot_dimension_numbers<[1], [0], [0], [1], [0, 0, 1, 1], [], []>, transpose_lhs_hint = false} : vector<1x200xf32>, vector<200x1024xf32>, vector<1x1024xf32> -> vector<1x1024xf32>
    %reshape3A_7 = vector.shape_cast %dot_general3A_6 : vector<1x1024xf32> to vector<8x128xf32>
    %swap3A = arith.constant 0 : index
    %swap3A_8 = arith.constant 0 : index
    %swap3A_9 = vector.load %arg4[%swap3A, %swap3A_8] : memref<8x128xf32, #tpu.memory_space<vmem>>, vector<8x128xf32>
    tpu.vector_store %arg4[%swap3A, %swap3A_8], %reshape3A_7 {strides = array<i32>} : memref<8x128xf32, #tpu.memory_space<vmem>>, vector<8x128xf32>,
    return
  }
  func.func @transform_0(%arg0: i32, %arg1: i32) -> (i32, i32, i32) {
    %c0_i32 = arith.constant 0 : i32
    %c0_i32_0 = arith.constant 0 : i32
    return %c0_i32, %arg0, %arg1 : i32, i32, i32
  }
  func.func @transform_1(%arg0: i32, %arg1: i32) -> (i32, i32) {
    %c0_i32 = arith.constant 0 : i32
    %c0_i32_0 = arith.constant 0 : i32
    %c0_i32_1 = arith.constant 0 : i32
    return %c0_i32, %c0_i32_0 : i32, i32
  }
  func.func @transform_2(%arg0: i32, %arg1: i32) -> (i32, i32) {
    %c0_i32 = arith.constant 0 : i32
    return %arg0, %arg1 : i32, i32
  }
}

module attributes {stable_mosaic.version = 14 : i64} {
  func.func @_outv_kernel(%arg0: i32, %arg1: memref<200x128xf32, #tpu.memory_space<vmem>>, %arg2: memref<200x128xf32, #tpu.memory_space<vmem>>, %arg3: memref<1x128xf32, #tpu.memory_space<vmem>>, %arg4: memref<128x200xf32, #tpu.memory_space<vmem>>, %arg5: memref<128x128xf32, #tpu.memory_space<vmem>>, %arg6: memref<128x200x16xf32, #tpu.memory_space<vmem>>) attributes {dimension_semantics = [#tpu.dimension_semantics<arbitrary>], iteration_bounds = array<i64: 8>, scalar_prefetch = 0 : i64, scratch_operands = 0 : i64, tpu.core_type = #tpu.core_type<tc>, window_params = [{transform_indices = @transform_0, window_bounds = array<i64: 200, 128>}, {pipeline_mode = #tpu.pipeline_mode<synchronous>, transform_indices = @transform_1, window_bounds = array<i64: 200, 128>}, {pipeline_mode = #tpu.pipeline_mode<synchronous>, transform_indices = @transform_2, window_bounds = array<i64: 1, 128>}, {transform_indices = @transform_3, window_bounds = array<i64: 128, 200>}, {transform_indices = @transform_4, window_bounds = array<i64: 128, 128>}, {transform_indices = @transform_5, window_bounds = array<i64: 128, 200, 16>}]} {
    %get3A = arith.constant 0 : index
    %get3A_0 = arith.constant 0 : index
    %get3A_1 = vector.load %arg1[%get3A, %get3A_0] : memref<200x128xf32, #tpu.memory_space<vmem>>, vector<200x128xf32>
    %get3A_2 = arith.constant 0 : index
    %get3A_3 = arith.constant 0 : index
    %get3A_4 = vector.load %arg2[%get3A_2, %get3A_3] : memref<200x128xf32, #tpu.memory_space<vmem>>, vector<200x128xf32>
    %dot_general3A = arith.constant dense<0.000000e+00> : vector<128x128xf32>
    %dot_general3A_5 = tpu.matmul %get3A_1, %get3A_4, %dot_general3A {dimension_numbers = #tpu.dot_dimension_numbers<[0], [0], [1], [1], [0, 1, 1, 1], [], []>, transpose_lhs_hint = false} : vector<200x128xf32>, vector<200x128xf32>, vector<128x128xf32> -> vector<128x128xf32>
    %get3A_6 = arith.constant 0 : index
    %get3A_7 = arith.constant 0 : index
    %get3A_8 = vector.load %arg3[%get3A_6, %get3A_7] : memref<1x128xf32, #tpu.memory_space<vmem>>, vector<1x128xf32>
    %add3A = vector.broadcast %get3A_8 : vector<1x128xf32> to vector<128x128xf32>
    %add3A_9 = arith.addf %dot_general3A_5, %add3A : vector<128x128xf32>
    %swap3A = arith.constant 0 : index
    %swap3A_10 = arith.constant 0 : index
    %swap3A_11 = vector.load %arg5[%swap3A, %swap3A_10] : memref<128x128xf32, #tpu.memory_space<vmem>>, vector<128x128xf32>
    tpu.vector_store %arg5[%swap3A, %swap3A_10], %add3A_9 {strides = array<i32>} : memref<128x128xf32, #tpu.memory_space<vmem>>, vector<128x128xf32>,
    %get3A_12 = arith.constant 0 : index
    %get3A_13 = arith.constant 0 : index
    %get3A_14 = vector.load %arg4[%get3A_12, %get3A_13] : memref<128x200xf32, #tpu.memory_space<vmem>>, vector<128x200xf32>
    %broadcast_in_dim3A = vector.shape_cast %get3A_14 : vector<128x200xf32> to vector<128x200x1xf32>
    %broadcast_in_dim3A_15 = vector.shape_cast %broadcast_in_dim3A : vector<128x200x1xf32> to vector<128x200x1xf32>
    %broadcast_in_dim3A_16 = vector.broadcast %broadcast_in_dim3A_15 : vector<128x200x1xf32> to vector<128x200x16xf32>
    %swap3A_17 = arith.constant 0 : index
    %swap3A_18 = arith.constant 0 : index
    %swap3A_19 = arith.constant 0 : index
    %swap3A_20 = vector.load %arg6[%swap3A_17, %swap3A_18, %swap3A_19] : memref<128x200x16xf32, #tpu.memory_space<vmem>>, vector<128x200x16xf32>
    tpu.vector_store %arg6[%swap3A_17, %swap3A_18, %swap3A_19], %broadcast_in_dim3A_16 {strides = array<i32>} : memref<128x200x16xf32, #tpu.memory_space<vmem>>, vector<128x200x16xf32>,
    return
  }
  func.func @transform_0(%arg0: i32) -> (i32, i32) {
    %c0_i32 = arith.constant 0 : i32
    %c0_i32_0 = arith.constant 0 : i32
    return %c0_i32, %arg0 : i32, i32
  }
  func.func @transform_1(%arg0: i32) -> (i32, i32) {
    %c0_i32 = arith.constant 0 : i32
    %c0_i32_0 = arith.constant 0 : i32
    %c0_i32_1 = arith.constant 0 : i32
    return %c0_i32, %c0_i32_0 : i32, i32
  }
  func.func @transform_2(%arg0: i32) -> (i32, i32) {
    %c0_i32 = arith.constant 0 : i32
    %c0_i32_0 = arith.constant 0 : i32
    %c0_i32_1 = arith.constant 0 : i32
    return %c0_i32, %c0_i32_0 : i32, i32
  }
  func.func @transform_3(%arg0: i32) -> (i32, i32) {
    %c0_i32 = arith.constant 0 : i32
    %c0_i32_0 = arith.constant 0 : i32
    return %arg0, %c0_i32 : i32, i32
  }
  func.func @transform_4(%arg0: i32) -> (i32, i32) {
    %c0_i32 = arith.constant 0 : i32
    %c0_i32_0 = arith.constant 0 : i32
    return %arg0, %c0_i32 : i32, i32
  }
  func.func @transform_5(%arg0: i32) -> (i32, i32, i32) {
    %c0_i32 = arith.constant 0 : i32
    %c0_i32_0 = arith.constant 0 : i32
    %c0_i32_1 = arith.constant 0 : i32
    return %arg0, %c0_i32, %c0_i32_0 : i32, i32, i32
  }
}

</mosaic_0001>

<sc_bundles>
// kernel: kernel.5.cloned.1.call-start
scs
__scs_entry_jumppad:
0x0: {  	(pc) =	sbr.rel $0x88, $3  }
0x1: {  	(tag) =	ssettag $0x0;
	lr =	simm.s32 $0x1  }
0x2: {  	[smem:$0x3F98] =	sst lr;
	_ =	strace $0xD0000000  }
0x3: {  	_ = 	snop  }
0x4: {  	_ = 	snop  }
0x5: {  	_ = 	snop  }
0x6: {  	_ = 	snop  }
0x7: {  	_ = 	snop  }
__scs_overlays_trampoline_lowered:
0x8: {  	[smem:$0x3FA7] =	sst s0  }
0x9: {  	[smem:$0x3FA8] =	sst s1  }
0xa: {  	[smem:$0x3FA9] =	sst s2  }
0xb: {  	[smem:$0x3FAA] =	sst s3  }
0xc: {  	[smem:$0x3FAB] =	sst s4  }
0xd: {  	[smem:$0x3FAC] =	sst s5  }
0xe: {  	[smem:$0x3FAD] =	sst s6  }
0xf: {  	[smem:$0x3FAE] =	sst s7  }
0x10: {  	[smem:$0x3FAF] =	sst s8  }
0x11: {  	[smem:$0x3FB0] =	sst s9;
	s0 =	simm.s32 @!p0 $0x0  }
0x12: {  	s1 =	sld [smem:$0x3F96];
	s0 =	simm.s32 @p0 $0x1  }
0x13: {  	[smem:$0x3FB1] =	sst s0;
	s0 =	simm.s32 @!p1 $0x0  }
0x14: {  	s2 =	sld [smem:$0x3F95];
	s0 =	simm.s32 @p1 $0x1  }
0x15: {  	[smem:$0x3FB2] =	sst s0;
	s0 =	simm.s32 @!p2 $0x0  }
0x16: {  	s3 =	sld [smem:$0x3FDB];
	s0 =	simm.s32 @p2 $0x1  }
0x17: {  	s4 =	simm.s32 $0x1BF5;
	[smem:$0x3FB4] =	sst s0  }
0x18: {  	s0 =	sld [smem:$0x3F97];
	_ =	swait.ge [sflag:s4], $0x0  }
0x19: {  	s7 =	sld [smem:$0x3F98]  }
0x1a: {  	s8 =	sadd.s32 $0xFFFFE003, lr  }
0x1b: {  	s9 =	sadd.s32 $0xFFFFFEF7, lr;
	s5 =	simm.s32 $0xFFFFFFFF;
	p2 =	slt.u32 s8, $0xFFFFF086  }
0x1c: {  	p1 =	slt.u32 s9, $0xF7A;
	s5 =	simm.s32 @!p2 $0x0  }
0x1d: {  	s5 =	simm.s32 @p1 $0x1;
	p0 =	seq.s32 s7, s2  }
0x1e: {  	s7 =	smul.u32 @!p0 $0xF7A, s2;
	p2 =	seq.s32 @!p0 s5, $0x0  }
0x1f: {  	s9 =	smul.u32 $0xF7A, s1;
	s8 =	simm.s32 @!p0 $0x1BF5;
	p2 =	por !p2, p0  }
0x20: {  	[sflag:s8] =	ssyncset.s32 @!p0 $0xFFFFF086;
	s6 =	sadd.s32 @!p0 s3, s7;
	s7 =	simm.s32 @!p0 $0x108  }
0x21: {  	s3 =	sadd.s32 s3, s9;
	s6 =	sadd.s32 @!p0 $0x88, s6;
	s7 =	simm.s32 @p2 $0x1082  }
0x22: {  	[simem:s7], [sflag:s8] =	dma.local @!p0 [hbm:s6], $0xF7A  }
0x23: {  	s9 =	sor.u32 $0xD0000000, s2;
	s6 =	simm.s32 $0x108;
	_ =	swait.ge @!p0 [sflag:s8], $0x0  }
0x24: {  	s3 =	sadd.s32 $0x88, s3;
	s6 =	simm.s32 @!p1 $0x1082;
	[sflag:s4] =	ssyncset.s32 $0xFFFFF086  }
0x25: {  	[simem:s6], [sflag:s4] =	dma.local [hbm:s3], $0xF7A  }
0x26: {  	[smem:$0x3F98] =	sst s1;
	(tag) =	ssettag s2;
	_ =	strace s9  }
0x27: {  	s1 =	sld [smem:$0x3FA8]  }
0x28: {  	s2 =	sld [smem:$0x3FA9]  }
0x29: {  	s4 =	sld [smem:$0x3FAB]  }
0x2a: {  	p0 =	seq.s32 s5, $0x0;
	s5 =	sld [smem:$0x3FAC]  }
0x2b: {  	s6 =	sld [smem:$0x3FAD]  }
0x2c: {  	s7 =	sld [smem:$0x3FAE]  }
0x2d: {  	s3 =	simm.s32 $0x108;
	s8 =	sld [smem:$0x3FAF]  }
0x2e: {  	s3 =	simm.s32 @!p0 $0x1082;
	s9 =	sld [smem:$0x3FB0]  }
0x2f: {  	lr =	sadd.s32 s0, s3;
	s0 =	sld [smem:$0x3FA7]  }
0x30: {  	s3 =	sld [smem:$0x3FAA]  }
0x31: {  	[smem:$0x3FB3] =	sst s10  }
0x32: {  	s10 =	sld [smem:$0x3FB1];
	_ =	sdelay $0x3  }
0x33: {  	p0 =	seq.s32 s10, $0x1;
	s10 =	sld [smem:$0x3FB3];
	_ =	sdelay $0x3  }
0x34: {  	[smem:$0x3FB3] =	sst s10  }
0x35: {  	s10 =	sld [smem:$0x3FB2];
	_ =	sdelay $0x3  }
0x36: {  	p1 =	seq.s32 s10, $0x1;
	s10 =	sld [smem:$0x3FB3];
	_ =	sdelay $0x3  }
0x37: {  	[smem:$0x3FB3] =	sst s10  }
0x38: {  	s10 =	sld [smem:$0x3FB4]  }
0x39: {  	_ = 	snop;
	(pc) =	sbr.ind lr, $3  }
0x3a: {  	_ = 	snop  }
0x3b: {  	_ = 	snop  }
0x3c: {  	p2 =	seq.s32 s10, $0x1;
	s10 =	sld [smem:$0x3FB3]  }
0x3d: {  	_ =	shalt  }
0x3e: {  	_ =	shalt  }
0x3f: {  	_ =	shalt  }
0x40: {  	_ =	shalt  }
0x41: {  	_ =	shalt  }
0x42: {  	_ =	shalt  }
0x43: {  	_ =	shalt  }
0x44: {  	_ =	shalt  }
0x45: {  	_ =	shalt  }
0x46: {  	_ =	shalt  }
0x47: {  	_ =	shalt  }
0x48: {  	_ =	shalt  }
0x49: {  	_ =	shalt  }
0x4a: {  	_ =	shalt  }
0x4b: {  	_ =	shalt  }
0x4c: {  	_ =	shalt  }
0x4d: {  	_ =	shalt  }
0x4e: {  	_ =	shalt  }
0x4f: {  	_ =	shalt  }
0x50: {  	_ =	shalt  }
0x51: {  	_ =	shalt  }
0x52: {  	_ =	shalt  }
0x53: {  	_ =	shalt  }
0x54: {  	_ =	shalt  }
0x55: {  	_ =	shalt  }
0x56: {  	_ =	shalt  }
0x57: {  	_ =	shalt  }
0x58: {  	_ =	shalt  }
0x59: {  	_ =	shalt  }
0x5a: {  	_ =	shalt  }
0x5b: {  	_ =	shalt  }
0x5c: {  	_ =	shalt  }
0x5d: {  	_ =	shalt  }
0x5e: {  	_ =	shalt  }
0x5f: {  	_ =	shalt  }
0x60: {  	_ =	shalt  }
0x61: {  	_ =	shalt  }
0x62: {  	_ =	shalt  }
0x63: {  	_ =	shalt  }
0x64: {  	_ =	shalt  }
0x65: {  	_ =	shalt  }
0x66: {  	_ =	shalt  }
0x67: {  	_ =	shalt  }
0x68: {  	_ =	shalt  }
0x69: {  	_ =	shalt  }
0x6a: {  	_ =	shalt  }
0x6b: {  	_ =	shalt  }
0x6c: {  	_ =	shalt  }
0x6d: {  	_ =	shalt  }
0x6e: {  	_ =	shalt  }
0x6f: {  	_ =	shalt  }
0x70: {  	_ =	shalt  }
0x71: {  	_ =	shalt  }
0x72: {  	_ =	shalt  }
0x73: {  	_ =	shalt  }
0x74: {  	_ =	shalt  }
0x75: {  	_ =	shalt  }
0x76: {  	_ =	shalt  }
0x77: {  	_ =	shalt  }
0x78: {  	_ =	shalt  }
0x79: {  	_ =	shalt  }
0x7a: {  	_ =	shalt  }
0x7b: {  	_ =	shalt  }
0x7c: {  	_ =	shalt  }
0x7d: {  	_ =	shalt  }
0x7e: {  	_ =	shalt  }
0x7f: {  	_ =	shalt  }
0x80: {  	_ =	shalt  }
0x81: {  	_ =	shalt  }
0x82: {  	_ =	shalt  }
0x83: {  	_ =	shalt  }
0x84: {  	_ =	shalt  }
0x85: {  	_ =	shalt  }
0x86: {  	_ =	shalt  }
0x87: {  	_ =	shalt  }
.Lfunc_end0:
.L_simem_size_0:
called_computation_lowered:
.L_overlay_start_0:
0x88: {  	s2 =	sld [smem:$0x3FD9]  }
0x89: {  	s3 =	sld [smem:$0x3FFE];
	_ =	sdelay $0x1  }
0x8a: {  	s1 =	srdreg.scid  }
0x8b: {  	s0 =	sand.u32 $0x1, s1  }
0x8c: {  	s17 =	sshll.u32 s0, $0xA;
	s2 =	sadd.s32 s3, s2  }
0x8d: {  	s2 =	sadd.s32 s2, s17  }
0x8e: {  	[smem:$0x3FBF] =	sst s2  }
0x8f: {  	_ = 	snop  }
0x90: {  	s2 =	sld [smem:$0x3FC5]  }
0x91: {  	s18 =	sld [smem:$0x3FC4]  }
0x92: {  	s4 =	sld [smem:$0x3FD0];
	(tm) =	ssettm $0x1  }
0x93: {  	s5 =	sld [smem:$0x3FFB];
	_ =	sdelay $0x3  }
0x94: {  	_ =	strace s5  }
0x95: {  	s5 =	sld [smem:$0x3FFC];
	_ =	sdelay $0x3  }
0x96: {  	_ =	strace s5  }
0x97: {  	s5 =	sld [smem:$0x3FFD];
	_ =	sdelay $0x3  }
0x98: {  	_ =	strace s5  }
0x99: {  	_ =	strace $0x8FFFFFFF  }
0x9a: {  	s19 =	sld [smem:$0x3FDB];
	_ =	sdelay $0x1  }
0x9b: {  	s6 =	simm.s32 $_scs_section_size  }
0x9c: {  	s7 =	simm.s32 $_size__tile_overlayer_lowered;
	s8 =	simm.s32 $_tile_overlayer_lowered  }
0x9d: {  	s22 =	simm.s32 $0x1BFF;
	s21 =	sshll.u32 s8, $0x1;
	s5 =	sadd.s32 s6, s19  }
0x9e: {  	s9 =	simm.s32 $0x0;
	s20 =	sshll.u32 s7, $0x1;
	s7 =	sadd.s32 s21, s5  }
0x9f: {  	[timem:s9], [sflag:s22] =	dma.local [hbm:s7], s20  }
0xa0: {  	_ =	swait.ge [sflag:s22], s20  }
0xa1: {  	s6 =	ssub.s32 $0x0, s20;
	[sflag:s22] =	ssyncset.done $0x0  }
0xa2: {  	[sflag:s22] =	ssyncadd.s32 s6;
	_ =	sdelay $0x1  }
0xa3: {  	s23 =	simm.s32 $0x1B8B  }
0xa4: {  	_ =	swait.ge [sflag:s23], $0x1  }
0xa5: {  	[sflag:s23] =	ssyncset.done $0x0  }
0xa6: {  	s25 =	simm.s32 $0x1B8E;
	s24 =	sld [smem:$0x3FFE];
	[sflag:s23] =	ssyncadd.s32 $0xFFFFFFFF  }
0xa7: {  	s26 =	simm.s32 $execute0_lowered;
	[smem:$0x3FD2] =	sst s25  }
0xa8: {  	s7 =	sshll.u32 s26, $0x1;
	_ =	strace $0x80000046;
	[dreg:$0x1] =	wrdreg $0xFFFFFFFF  }
0xa9: {  	s28 =	simm.s32 $_size_execute0_lowered;
	s5 =	sadd.s32 s5, s7;
	[dreg:$0x0] =	wrdreg $0x0  }
0xaa: {  	s7 =	sshll.u32 s28, $0x1;
	[dreg:$0x2] =	wrdreg s5  }
0xab: {  	[dreg:$0x3] =	wrdreg s7  }
0xac: {  	[dreg:$0x4] =	wrdreg $0xC0  }
0xad: {  	_ =	task [dreg:s9], $0x5FFFF  }
0xae: {  	[dreg:$0x1] =	wrdreg $0xFFFFFFFF  }
0xaf: {  	[dreg:$0x0] =	wrdreg $0x60  }
0xb0: {  	[dreg:$0x2] =	wrdreg s24  }
0xb1: {  	[dreg:$0x3] =	wrdreg s2  }
0xb2: {  	[dreg:$0x4] =	wrdreg s18  }
0xb3: {  	[dreg:$0x5] =	wrdreg s4  }
0xb4: {  	[dreg:$0x6] =	wrdreg $0x9  }
0xb5: {  	_ =	task.clear_ibuf [dreg:s9], $0x7FFFF;
	_ =	strace $0x90000046  }
0xb6: {  	s29 =	simm.s32 $0x9;
	_ =	strace $0x80000048  }
0xb7: {  	_ =	swait.ge [sflag:s29], $0x1  }
0xb8: {  	[sflag:s29] =	ssyncadd.s32 $0xFFFFFFFF  }
0xb9: {  	_ =	strace $0x90000048  }
0xba: {  	_ =	sfence  }
0xbb: {  	s30 =	sld [smem:$0x0];
	_ =	sdelay $0x2  }
0xbc: {  	s31 =	sshll.u32 s1, $0xD;
	s1 =	sshrl.u32 s1, $0x2  }
0xbd: {  	s3 =	sand.u32 $0x4000, s31;
	s1 =	sadd.s32 s1, s30  }
0xbe: {  	s0 =	sor.u32 s3, s0;
	s1 =	sshll.u32 s1, $0x11  }
0xbf: {  	s0 =	sor.u32 s1, s0  }
0xc0: {  	s0 =	sadd.s32 $0x8F2B, s0  }
0xc1: {  	[sflag:s0] =	ssyncadd.remote.s32 $0x1  }
0xc2: {  	_ =	sfence.sel $0xFFFF  }
0xc3: {  	[dreg:$0x0] =	wrdreg $0xFFFFFFFF;
	(pc) =	sbr.abs _section_cstart, $3  }
0xc4: {  	[dreg:$0x1] =	wrdreg $0xFFFFFFFF  }
0xc5: {  	_ =	task.clear_ibuf [dreg:s9], $0x2FFFF;
	_ =	strace $0x9FFFFFFF  }
0xc6: {  	(tm) =	ssettm $0x7FFFFFFF  }
0xc7: {  	_ =	shalt  }
tec
execute0_lowered:
.L_overlay_start_1:
0x0: {  	(tag) =	ssettag $0x1  }
0x1: {  	s7 =	rddreg [dreg:$0x0]  }
0x2: {  	s1 =	rddreg [dreg:$0x1]  }
0x3: {  	s3 =	rddreg [dreg:$0x2];
	s2 =	srdreg.scid  }
0x4: {  	s0 =	stileid.u32;
	s4 =	rddreg [dreg:$0x3];
	s5 =	simm.s32 $0x0  }
0x5: {  	s13 =	simm.s32 $0x2000;
	s14 =	simm.s32 $0xA400;
	s15 =	simm.s32 $0x64  }
0x6: {  	s16 =	simm.s32 $0xB400;
	s17 =	simm.s32 $0xE600;
	s18 =	simm.s32 $0x11800  }
0x7: {  	s19 =	simm.s32 $0x14A00;
	s20 =	simm.s32 $0x4000;
	s21 =	simm.s32 $0x1  }
0x8: {  	s6 =	sand.u32 $0x1, s2;
	s8 =	sshll.u32 s0, $0x1;
	s2 =	rddreg [dreg:$0x4]  }
0x9: {  	s22 =	simm.s32 $0x0;
	[smem:$0x7FF] =	sst s5;
	s8 =	sor.u32 s6, s8  }
0xa: {  	_ =	strace $0x80000047;
	s10 =	ssub.s32 $0x2, s6;
	s6 =	sadd.s32 $0x10E00, s7  }
0xb: {  	s9 =	sshll.u32 s8, $0xA;
	s11 =	sshll.u32 s8, $0x9;
	s12 =	sshrl.u32 s10, $0x1  }
0xc: {  	s9 =	sadd.s32 s9, s7;
	s11 =	sadd.s32 s11, s7;
	s12 =	ssub.s32 s10, s12  }
0xd: {  	s7 =	sshll.u32 s8, $0x5;
	s8 =	sadd.s32 $0xE00, s9;
	s9 =	sadd.s32 $0x8E00, s9  }
0xe: {  	s10 =	sadd.s32 $0x330E00, s11;
	s11 =	smax.u32 s12, $0x1;
	s12 =	simm.s32 $0x2  }
.LBB2_1:
0xf: {  	[tilespmem:s5], [sflag:$0x2] =	stream.linear.gather [hbm4b:s8+s5], $0x2000, $0x38;
	[tilespmem:$0x17C00] =	vst v63  }
0x10: {  	_ =	swait.ge [sflag:s12], $0x2000  }
0x11: {  	[sflag:s12] =	ssyncset.done $0x0  }
0x12: {  	[sflag:s12] =	ssyncadd.s32 $0xFFFFE000  }
0x13: {  	[tilespmem:s13], [sflag:$0x2] =	stream.linear.gather [hbm4b:s9+s5], $0x2000, $0x38;
	[tilespmem:$0x17C00] =	vst v63  }
0x14: {  	_ =	swait.ge [sflag:s12], $0x2000  }
0x15: {  	[sflag:s12] =	ssyncset.done $0x0  }
0x16: {  	[sflag:s12] =	ssyncadd.s32 $0xFFFFE000  }
0x17: {  	[tilespmem:s14], [sflag:$0x2] =	stream.linear.gather [hbm4b:s10+s5], $0x1000, $0x38;
	[tilespmem:$0x17C00] =	vst v63  }
0x18: {  	_ =	swait.ge [sflag:s12], $0x1000  }
0x19: {  	[sflag:s12] =	ssyncset.done $0x0  }
0x1a: {  	s23 =	simm.s32 $0x0;
	[sflag:s12] =	ssyncadd.s32 $0xFFFFF000  }
.LBB2_2:
0x1b: {  	s24 =	sshll.u32 s23, $0x8  }
0x1c: {  	[tilespmem:s16], [sflag:$0x1] =	stream.indirect.gather [hbm4b:s1+s15], $0x80, s24, s15, $0xb8;
	[tilespmem:$0x17C00] =	vst v63  }
0x1d: {  	s25 =	sor.u32 $0x80, s24  }
0x1e: {  	[tilespmem:s17], [sflag:$0x1] =	stream.indirect.gather [hbm4b:s1+s15], $0x80, s25, s15, $0xb8;
	[tilespmem:$0x17C00] =	vst v63  }
0x1f: {  	s29 =	sadd.s32 s7, s23;
	s28 =	sadd.s32 $0x2000, s24  }
0x20: {  	[tilespmem:s18], [sflag:$0x1] =	stream.indirect.gather [hbm4b:s3+s15], $0x80, s28, s15, $0xb8;
	[tilespmem:$0x17C00] =	vst v63  }
0x21: {  	s26 =	sadd.s32 $0x2080, s24;
	s24 =	smul.u32 $0xC80, s29  }
0x22: {  	[tilespmem:s19], [sflag:$0x1] =	stream.indirect.gather [hbm4b:s3+s15], $0x80, s26, s15, $0xb8;
	[tilespmem:$0x17C00] =	vst v63  }
0x23: {  	s30 =	simm.s32 $0x0;
	s25 =	sadd.s32 s6, s24  }
0x24: {  	[tilespmem:s20], [sflag:$0x1] =	stream.linear.gather [hbm4b:s25+s30], $0x6400, $0x38;
	[tilespmem:$0x17C00] =	vst v63  }
0x25: {  	_ =	swait.ge [sflag:s21], $0x3200  }
0x26: {  	[sflag:s21] =	ssyncset.done $0x0  }
0x27: {  	[sflag:s21] =	ssyncadd.s32 $0xFFFFCE00  }
0x28: {  	_ =	swait.ge [sflag:s21], $0x3200  }
0x29: {  	[sflag:s21] =	ssyncset.done $0x0  }
0x2a: {  	[sflag:s21] =	ssyncadd.s32 $0xFFFFCE00  }
0x2b: {  	_ =	swait.ge [sflag:s21], $0x3200  }
0x2c: {  	[sflag:s21] =	ssyncset.done $0x0  }
0x2d: {  	[sflag:s21] =	ssyncadd.s32 $0xFFFFCE00  }
0x2e: {  	_ =	swait.ge [sflag:s21], $0x3200  }
0x2f: {  	[sflag:s21] =	ssyncset.done $0x0  }
0x30: {  	[sflag:s21] =	ssyncadd.s32 $0xFFFFCE00  }
0x31: {  	_ =	swait.ge [sflag:s21], $0x6400  }
0x32: {  	s31 =	sshll.u32 s23, $0x7;
	[sflag:s21] =	ssyncset.done $0x0  }
0x33: {  	s25 =	sand.u32 $0x3FFFFF80, s31;
	[sflag:s21] =	ssyncadd.s32 $0xFFFF9C00  }
0x34: {  	v7 =	vld [tilespmem:s25+$0xA400]  }
0x35: {  	v8 =	vld [tilespmem:s25+$0xA410]  }
0x36: {  	v6 =	vld [tilespmem:s25+$0xA420]  }
0x37: {  	v5 =	vld [tilespmem:s25+$0xA430]  }
0x38: {  	v4 =	vld [tilespmem:s25+$0xA440]  }
0x39: {  	v2 =	vld [tilespmem:s25+$0xA450]  }
0x3a: {  	v1 =	vld [tilespmem:s25+$0xA460]  }
0x3b: {  	v0 =	vld [tilespmem:s25+$0xA470];
	s25 =	simm.s32 $0x0  }
0x3c: {  	v3 =	vld [tilespmem:s25+$0x4000]  }
0x3d: {  	v15 =	vld [tilespmem:s25+$0x11800]  }
0x3e: {  	v20 =	vld [tilespmem:s25+$0x11810]  }
0x3f: {  	v14 =	vld [tilespmem:s25+$0x11820]  }
0x40: {  	v13 =	vld [tilespmem:s25+$0x11830]  }
0x41: {  	v12 =	vld [tilespmem:s25+$0x11840]  }
0x42: {  	v11 =	vld [tilespmem:s25+$0x11850]  }
0x43: {  	v10 =	vld [tilespmem:s25+$0x11860]  }
0x44: {  	v9 =	vld [tilespmem:s25+$0x11870]  }
0x45: {  	v16 =	vld [tilespmem:s25+$0xB400]  }
0x46: {  	v21 =	vld [tilespmem:s25+$0xB410]  }
0x47: {  	v19 =	vld [tilespmem:s25+$0xB420]  }
0x48: {  	v18 =	vld [tilespmem:s25+$0xB430]  }
0x49: {  	v17 =	vld [tilespmem:s25+$0xB440]  }
0x4a: {  	v22 =	vadd.f32 v15, v16;
	v16 =	vld [tilespmem:s25+$0xB450];
	v23 =	vmul.f32 v3, v7  }
0x4b: {  	s26 =	simm.s32 $0x200;
	v20 =	vadd.f32 v20, v21;
	v21 =	vmul.f32 v3, v8;
	v15 =	vld [tilespmem:s25+$0xB460]  }
.LBB2_3:
0x4c: {  	s28 =	sshra.s32 s26, $0x2;
	p0 =	sne.s32 s26, $0x18E00;
	v22 =	vadd.f32 v22, v23;
	v14 =	vadd.f32 v14, v19;
	v19 =	vmul.f32 v3, v6;
	v23 =	vld [tilespmem:s25+$0xB470]  }
0x4d: {  	v24 =	vld [tilespmem:s28+$0x4000];
	v20 =	vadd.f32 v20, v21;
	v13 =	vadd.f32 v13, v18;
	v18 =	vmul.f32 v3, v5  }
0x4e: {  	v21 =	vld [tilespmem:s28+$0x11800];
	[tilespmem:s25+$0xB400] =	vst v22;
	v19 =	vadd.f32 v14, v19;
	v12 =	vadd.f32 v12, v17;
	v17 =	vmul.f32 v3, v4  }
0x4f: {  	v25 =	vld [tilespmem:s28+$0x11810];
	[tilespmem:s25+$0xB410] =	vst v20;
	v18 =	vadd.f32 v13, v18;
	v11 =	vadd.f32 v11, v16;
	v16 =	vmul.f32 v3, v2  }
0x50: {  	v14 =	vld [tilespmem:s28+$0x11820];
	[tilespmem:s25+$0xB420] =	vst v19;
	v17 =	vadd.f32 v12, v17;
	v10 =	vadd.f32 v10, v15;
	v15 =	vmul.f32 v3, v1  }
0x51: {  	v13 =	vld [tilespmem:s28+$0x11830];
	[tilespmem:s25+$0xB430] =	vst v18;
	v16 =	vadd.f32 v11, v16;
	v9 =	vadd.f32 v9, v23;
	v18 =	vmul.f32 v3, v0  }
0x52: {  	v12 =	vld [tilespmem:s28+$0x11840];
	[tilespmem:s25+$0xB440] =	vst v17;
	v15 =	vadd.f32 v10, v15;
	v3 =	vmov v24  }
0x53: {  	v11 =	vld [tilespmem:s28+$0x11850];
	[tilespmem:s25+$0xB450] =	vst v16;
	v16 =	vadd.f32 v9, v18  }
0x54: {  	v10 =	vld [tilespmem:s28+$0x11860];
	[tilespmem:s25+$0xB460] =	vst v15  }
0x55: {  	v9 =	vld [tilespmem:s28+$0x11870];
	[tilespmem:s25+$0xB470] =	vst v16;
	s25 =	smov.u32 s28  }
0x56: {  	v15 =	vld [tilespmem:s25+$0xB400]  }
0x57: {  	v20 =	vld [tilespmem:s25+$0xB410]  }
.Ltmp0:
0x58: {  	v19 =	vld [tilespmem:s25+$0xB420];
	(pc) =	sbr.rel @p0 .LBB2_3-.Ltmp0, $4  }
0x59: {  	v18 =	vld [tilespmem:s25+$0xB430]  }
0x5a: {  	v17 =	vld [tilespmem:s25+$0xB440]  }
0x5b: {  	v23 =	vmul.f32 v3, v7;
	v22 =	vadd.f32 v21, v15;
	v16 =	vld [tilespmem:s25+$0xB450]  }
0x5c: {  	s26 =	sadd.s32 $0x200, s26;
	v21 =	vmul.f32 v3, v8;
	v20 =	vadd.f32 v25, v20;
	v15 =	vld [tilespmem:s25+$0xB460]  }
0x5d: {  	v7 =	vadd.f32 v22, v23;
	v8 =	vadd.f32 v14, v19;
	v6 =	vmul.f32 v3, v6;
	v58 =	vld [tilespmem:s25+$0xB470]  }
0x5e: {  	v5 =	vmul.f32 v3, v5;
	v59 =	vadd.f32 v20, v21;
	v13 =	vadd.f32 v13, v18  }
0x5f: {  	v4 =	vmul.f32 v3, v4;
	[tilespmem:s25+$0xB400] =	vst v7;
	v6 =	vadd.f32 v8, v6;
	v60 =	vadd.f32 v12, v17  }
0x60: {  	v2 =	vmul.f32 v3, v2;
	[tilespmem:s25+$0xB410] =	vst v59;
	v5 =	vadd.f32 v13, v5;
	v61 =	vadd.f32 v11, v16  }
0x61: {  	v1 =	vmul.f32 v3, v1;
	[tilespmem:s25+$0xB420] =	vst v6;
	v4 =	vadd.f32 v60, v4;
	v62 =	vadd.f32 v10, v15  }
0x62: {  	v0 =	vmul.f32 v3, v0;
	[tilespmem:s25+$0xB430] =	vst v5;
	v2 =	vadd.f32 v61, v2;
	v63 =	vadd.f32 v9, v58  }
0x63: {  	[tilespmem:s25+$0xB440] =	vst v4;
	v1 =	vadd.f32 v62, v1  }
0x64: {  	s23 =	sadd.s32 $0x1, s23;
	[tilespmem:s25+$0xB450] =	vst v2;
	v0 =	vadd.f32 v63, v0  }
0x65: {  	p0 =	sne.s32 s23, $0x20;
	[tilespmem:s25+$0xB460] =	vst v1  }
.Ltmp1:
0x66: {  	s24 =	sadd.s32 s4, s24;
	[tilespmem:s25+$0xB470] =	vst v0;
	(pc) =	sbr.rel @p0 .LBB2_2-.Ltmp1, $4  }
0x67: {  	[hbm4b:s24+s5] =	stream.linear.scatter [tilespmem:s16], [sflag:$0x2], $0x6400, $0x38;
	[tilespmem:$0x17C00] =	vst v63  }
0x68: {  	_ =	swait.ge [sflag:s12], $0x6400  }
0x69: {  	[sflag:s12] =	ssyncset.done $0x0  }
0x6a: {  	[sflag:s12] =	ssyncadd.s32 $0xFFFF9C00  }
0x6b: {  	s22 =	sadd.s32 $0x1, s22  }
0x6c: {  	p0 =	sne.s32 s22, s11  }
.Ltmp2:
0x6d: {  	_ = 	snop;
	(pc) =	sbr.rel @p0 .LBB2_1-.Ltmp2, $1  }
0x6e: {  	_ =	sdelay $0x3  }
0x6f: {  	_ =	sfence.sel $0x180000  }
0x70: {  	[bflag:$0x0] =	sbarrier.arrive $0xFFFF  }
0x71: {  	p0 =	sne.s32 s0, $0x0;
	_ =	strace $0x90000047  }
0x72: {  	s0 =	sadd.s32 @!p0 $0x100000, s2;
	[bflag:$0x2] =	sbarrier.arrive $0xFFFF  }
0x73: {  	[sflag:s0] =	ssyncadd.tile.s32 @!p0 $0x1;
	_ =	shalt  }
.Lfunc_end2:
_tile_overlayer_lowered:
.L_overlay_start_2:
0x74: {  	(tag) =	ssettag $0x2  }
0x75: {  	s0 =	rddreg [dreg:$0x0];
	s2 =	stileid.u32  }
0x76: {  	s1 =	rddreg [dreg:$0x1];
	p0 =	sne.s32 s2, $0x0  }
0x77: {  	s3 =	rddreg [dreg:$0x2];
	[bflag:$0x3] =	sbarrier.arrive $0xFFFF;
	s2 =	simm.s32 @!p0 $0x1C02  }
0x78: {  	[timem:s3], [sflag:s2] =	dma.local @!p0 [hbm:s0], s1  }
0x79: {  	s0 =	simm.s32 @!p0 $0x2  }
0x7a: {  	_ =	swait.ge @!p0 [sflag:s0], s1  }
0x7b: {  	s1 =	ssub.s32 @!p0 $0x0, s1;
	[sflag:s0] =	ssyncset.done @!p0 $0x0  }
0x7c: {  	[sflag:s0] =	ssyncadd.s32 @!p0 s1  }
0x7d: {  	[bflag:$0x3] =	sbarrier.arrive $0xFFFF  }
0x7e: {  	_ =	shalt  }

</sc_bundles>
